<compile_context>
chip_gen: v7x
topology: tpu7x:2x2x1
jax: 0.10.2.dev20260603
libtpu: 0.0.44.dev20260713+nightly
codegen_flags: <defaults>
</compile_context>

<pallas_src>
import functools
import math

import jax
import jax.numpy as jnp
from jax import lax
from jax.experimental import pallas as pl
from jax.experimental.pallas import tpu as pltpu
from jax.experimental.pallas import tpu_sc as plsc

NUM_BUCKETS = 32
NUM_HEADS = 16
MAX_DISTANCE = 128
S_Q = 2048
S_K = 2048
D2_LEN = 4096
SLAB_W = 3968
HEADS_PER_CORE = NUM_HEADS // 2


def _bucket_values(d, table_ref, h):
    nb = NUM_BUCKETS // 2
    base = jnp.where(d > 0, nb, 0).astype(jnp.int32)
    rp = jnp.abs(d)
    max_exact = nb // 2
    is_small = rp < max_exact
    rpf = rp.astype(jnp.float32)
    large = max_exact + (
        jnp.log(rpf / max_exact)
        / math.log(MAX_DISTANCE / max_exact)
        * (nb - max_exact)
    ).astype(jnp.int32)
    large = jnp.minimum(large, nb - 1)
    bucket = base + jnp.where(is_small, rp, large)
    val = jnp.zeros(d.shape, jnp.float32)
    for b in range(NUM_BUCKETS):
        val = jnp.where(bucket == b, table_ref[b, h], val)
    return val


def _diag_kernel(off_ref, table_ref, out_ref):
    h = pl.program_id(0)
    i = jax.lax.broadcasted_iota(jnp.int32, (8, D2_LEN), 0)
    j = jax.lax.broadcasted_iota(jnp.int32, (8, D2_LEN), 1)
    d = j + 7 - i - 2047 + off_ref[0]
    val = _bucket_values(d, table_ref, h)
    for s in range(16):
        out_ref[0, s] = val[:, 120 - 8 * s : 120 - 8 * s + SLAB_W]


def _sc_expand(diag_hbm, out_hbm, slab0, slab1, sb0, sb1, sw0, sw1):
    c = lax.axis_index("c")
    s = lax.axis_index("s")
    slabs = (slab0, slab1)
    build_sems = (sb0, sb1)
    write_sems = (sw0, sw1)

    def build(hh, buf):
        h = HEADS_PER_CORE * c + hh
        return pltpu.async_copy(
            diag_hbm.at[h, s],
            slabs[buf].at[pl.ds(pl.multiple_of(8 * s, 8), 8), :],
            build_sems[buf],
        )

    def write(hh, buf):
        h = HEADS_PER_CORE * c + hh
        t = pl.multiple_of(128 * (15 - s), 128)
        return pltpu.async_copy(
            slabs[buf].at[:, pl.ds(t, S_K)],
            out_hbm.at[h, pl.ds(pl.multiple_of(128 * s, 8), 128), :],
            write_sems[buf],
        )

    n = HEADS_PER_CORE
    build_cp = [None] * n
    write_cp = [None] * n
    build_cp[0] = build(0, 0)
    for hh in range(n):
        buf = hh % 2
        build_cp[hh].wait()
        plsc.subcore_barrier()
        write_cp[hh] = write(hh, buf)
        if hh + 1 < n:
            if hh >= 1:
                write_cp[hh - 1].wait()
            plsc.subcore_barrier()
            build_cp[hh + 1] = build(hh + 1, 1 - buf)
    write_cp[n - 2].wait()
    write_cp[n - 1].wait()


def kernel(seq_length, key_length, relative_attention_bias):
    off = (jnp.asarray(key_length, jnp.int32) - S_K) - (
        jnp.asarray(seq_length, jnp.int32) - S_Q
    )
    off = off.reshape((1,))

    diag = pl.pallas_call(
        _diag_kernel,
        grid=(NUM_HEADS,),
        in_specs=[
            pl.BlockSpec(memory_space=pltpu.SMEM),
            pl.BlockSpec(memory_space=pltpu.SMEM),
        ],
        out_specs=pl.BlockSpec((1, 16, 8, SLAB_W), lambda h: (h, 0, 0, 0)),
        out_shape=jax.ShapeDtypeStruct(
            (NUM_HEADS, 16, 8, SLAB_W), jnp.float32
        ),
    )(off, relative_attention_bias)

    mesh = plsc.VectorSubcoreMesh(core_axis_name="c", subcore_axis_name="s")
    expand = functools.partial(
        pl.kernel,
        mesh=mesh,
        out_type=jax.ShapeDtypeStruct((NUM_HEADS, S_Q, S_K), jnp.float32),
        scratch_types=[
            pltpu.VMEM_SHARED((128, SLAB_W), jnp.float32),
            pltpu.VMEM_SHARED((128, SLAB_W), jnp.float32),
            pltpu.SemaphoreType.DMA,
            pltpu.SemaphoreType.DMA,
            pltpu.SemaphoreType.DMA,
            pltpu.SemaphoreType.DMA,
        ],
    )(_sc_expand)
    return expand(diag)

# --- scband reference (transcript-rebuilt; emitter-appended) ---
"""Pipeline reference for scband-relative-position-embedding-layer-24498493456459 (READ-ONLY COPY).

The authoritative reference and input builder live on the scoring server;
editing this copy changes nothing except your own understanding.
"""

import jax, jax.numpy as jnp
import numpy as np
import math

NUM_BUCKETS = 32
NUM_HEADS = 16
BIDIRECTIONAL = True
MAX_DISTANCE = 128
STATIC_SEQ_LENGTH = 2048
STATIC_KEY_LENGTH = 2048


def setup_inputs(seed: int = 0) -> dict:
    key = jax.random.key(seed)
    bound = math.sqrt(6.0 / (NUM_BUCKETS + NUM_HEADS))
    table = jax.random.uniform(key, (NUM_BUCKETS, NUM_HEADS), minval=-bound, maxval=bound, dtype=jnp.float32)
    return {"seq_length": 2048, "key_length": 2048, "relative_attention_bias": table}


def _relative_position_bucket(relative_position, bidirectional=BIDIRECTIONAL, num_buckets=NUM_BUCKETS, max_distance=MAX_DISTANCE):
    relative_buckets = jnp.zeros_like(relative_position)
    if bidirectional:
        num_buckets //= 2
        relative_buckets = relative_buckets + (relative_position > 0).astype(relative_position.dtype) * num_buckets
        relative_position = jnp.abs(relative_position)
    else:
        relative_position = -jnp.minimum(relative_position, jnp.zeros_like(relative_position))
    max_exact = num_buckets // 2
    is_small = relative_position < max_exact
    rp_float = relative_position.astype(jnp.float32)
    relative_position_if_large = max_exact + (jnp.log(rp_float / max_exact) / math.log(max_distance / max_exact) * (num_buckets - max_exact)).astype(relative_position.dtype)
    relative_position_if_large = jnp.minimum(relative_position_if_large, jnp.full_like(relative_position_if_large, num_buckets - 1))
    relative_buckets = relative_buckets + jnp.where(is_small, relative_position, relative_position_if_large)
    return relative_buckets.astype(jnp.int32)


def reference(seq_length, key_length, relative_attention_bias):
    seq_offset = jnp.asarray(seq_length, dtype=jnp.int32) - STATIC_SEQ_LENGTH
    key_offset = jnp.asarray(key_length, dtype=jnp.int32) - STATIC_KEY_LENGTH
    context_position = (jnp.arange(STATIC_SEQ_LENGTH, dtype=jnp.int32) + seq_offset)[:, None]
    memory_position = (jnp.arange(STATIC_KEY_LENGTH, dtype=jnp.int32) + key_offset)[None, :]
    relative_position = memory_position - context_position
    relative_position_bucket = _relative_position_bucket(relative_position)
    # embedding lookup: gather rows of the [num_buckets, num_heads] table
    values = jnp.take(relative_attention_bias, relative_position_bucket, axis=0)  # [q, k, h]
    values = jnp.transpose(values, (2, 0, 1))  # [h, q, k]
    return values

if __name__ == "__main__":
    import jax
    _d = setup_inputs()
    print(jax.jit(kernel)(*tuple(_d.values())))

</pallas_src>

<mosaic_0001>
#map = affine_map<(d0, d1) -> (0, 0, 0, 0)>
#map1 = affine_map<(d0, d1) -> (0, 0, 0)>
module attributes {stable_mosaic.version = 14 : i64} {
  func.func @_sc_expand(%arg0: i32, %arg1: i32, %arg2: memref<16x16x8x3968xf32, #tpu.memory_space<hbm>>, %arg3: memref<16x2048x2048xf32, #tpu.memory_space<hbm>>, %arg4: memref<128x3968xf32, #tpu.memory_space<vmem_shared>>, %arg5: memref<128x3968xf32, #tpu.memory_space<vmem_shared>>, %arg6: memref<!tpu.dma_semaphore, #tpu.memory_space<semaphore_mem>>, %arg7: memref<!tpu.dma_semaphore, #tpu.memory_space<semaphore_mem>>, %arg8: memref<!tpu.dma_semaphore, #tpu.memory_space<semaphore_mem>>, %arg9: memref<!tpu.dma_semaphore, #tpu.memory_space<semaphore_mem>>) attributes {dimension_semantics = [#tpu.dimension_semantics<core_parallel>, #tpu.dimension_semantics<subcore_parallel>], iteration_bounds = array<i64: 2, 16>, scalar_prefetch = 0 : i64, scratch_operands = 6 : i64, tpu.core_type = #tpu.core_type<sc_vector_subcore>, window_params = [{transform_indices = #map}, {transform_indices = #map1}]} {
    %mul3A = arith.constant 8 : i32
    %mul3A_0 = arith.muli %mul3A, %arg0 : i32
    %add3A = arith.constant 0 : i32
    %add3A_1 = arith.addi %mul3A_0, %add3A : i32
    %mul3A_2 = arith.constant 8 : i32
    %mul3A_3 = arith.muli %mul3A_2, %arg1 : i32
    %multiple_of3A = tpu.assume_multiple %mul3A_3, 8 : i32
    %dma_start3A = arith.constant 0 : i32
    %dma_start3A_4 = tpu.memref_slice %arg4[%multiple_of3A, %dma_start3A] : memref<128x3968xf32, #tpu.memory_space<vmem_shared>> -> memref<8x3968xf32, #tpu.memory_space<vmem_shared>>
    %dma_start3A_5 = arith.constant 0 : i32
    %dma_start3A_6 = arith.constant 0 : i32
    %dma_start3A_7 = tpu.memref_slice %arg2[%add3A_1, %arg1, %dma_start3A_5, %dma_start3A_6] : memref<16x16x8x3968xf32, #tpu.memory_space<hbm>> -> memref<1x1x8x3968xf32, #tpu.memory_space<hbm>>
    %dma_start3A_8 = tpu.memref_squeeze %dma_start3A_7 : memref<1x1x8x3968xf32, #tpu.memory_space<hbm>> -> memref<8x3968xf32, #tpu.memory_space<hbm>>
    tpu.enqueue_dma source(%dma_start3A_8 : memref<8x3968xf32, #tpu.memory_space<hbm>>) target(%dma_start3A_4 : memref<8x3968xf32, #tpu.memory_space<vmem_shared>>) target_semaphore(%arg6 : memref<!tpu.dma_semaphore, #tpu.memory_space<semaphore_mem>>)
    %dma_wait3A = arith.constant 0 : i32
    %dma_wait3A_9 = tpu.memref_slice %arg4[%multiple_of3A, %dma_wait3A] : memref<128x3968xf32, #tpu.memory_space<vmem_shared>> -> memref<8x3968xf32, #tpu.memory_space<vmem_shared>>
    %dma_wait3A_10 = arith.constant 0 : i32
    %dma_wait3A_11 = arith.constant 0 : i32
    %dma_wait3A_12 = tpu.memref_slice %arg2[%add3A_1, %arg1, %dma_wait3A_10, %dma_wait3A_11] : memref<16x16x8x3968xf32, #tpu.memory_space<hbm>> -> memref<1x1x8x3968xf32, #tpu.memory_space<hbm>>
    %dma_wait3A_13 = tpu.memref_squeeze %dma_wait3A_12 : memref<1x1x8x3968xf32, #tpu.memory_space<hbm>> -> memref<8x3968xf32, #tpu.memory_space<hbm>>
    tpu.wait_dma2 semaphore(%arg6 : memref<!tpu.dma_semaphore, #tpu.memory_space<semaphore_mem>>) src(%dma_wait3A_13 : memref<8x3968xf32, #tpu.memory_space<hbm>>) dst(%dma_wait3A_9 : memref<8x3968xf32, #tpu.memory_space<vmem_shared>>)
    %barrier3A = arith.constant 0 : index
    tpu.barrier barrier_id(%barrier3A)
    %mul3A_14 = arith.constant 8 : i32
    %mul3A_15 = arith.muli %mul3A_14, %arg0 : i32
    %add3A_16 = arith.constant 0 : i32
    %add3A_17 = arith.addi %mul3A_15, %add3A_16 : i32
    %sub3A = arith.constant 15 : i32
    %sub3A_18 = arith.subi %sub3A, %arg1 : i32
    %mul3A_19 = arith.constant 128 : i32
    %mul3A_20 = arith.muli %mul3A_19, %sub3A_18 : i32
    %multiple_of3A_21 = tpu.assume_multiple %mul3A_20, 128 : i32
    %mul3A_22 = arith.constant 128 : i32
    %mul3A_23 = arith.muli %mul3A_22, %arg1 : i32
    %multiple_of3A_24 = tpu.assume_multiple %mul3A_23, 8 : i32
    %dma_start3A_25 = arith.constant 0 : i32
    %dma_start3A_26 = tpu.memref_slice %arg3[%add3A_17, %multiple_of3A_24, %dma_start3A_25] : memref<16x2048x2048xf32, #tpu.memory_space<hbm>> -> memref<1x128x2048xf32, #tpu.memory_space<hbm>>
    %dma_start3A_27 = tpu.memref_squeeze %dma_start3A_26 : memref<1x128x2048xf32, #tpu.memory_space<hbm>> -> memref<128x2048xf32, #tpu.memory_space<hbm>>
    %dma_start3A_28 = arith.constant 0 : i32
    %dma_start3A_29 = tpu.memref_slice %arg4[%dma_start3A_28, %multiple_of3A_21] : memref<128x3968xf32, #tpu.memory_space<vmem_shared>> -> memref<128x2048xf32, #tpu.memory_space<vmem_shared>>
    tpu.enqueue_dma source(%dma_start3A_29 : memref<128x2048xf32, #tpu.memory_space<vmem_shared>>) target(%dma_start3A_27 : memref<128x2048xf32, #tpu.memory_space<hbm>>) target_semaphore(%arg8 : memref<!tpu.dma_semaphore, #tpu.memory_space<semaphore_mem>>)
    %barrier3A_30 = arith.constant 0 : index
    tpu.barrier barrier_id(%barrier3A_30)
    %mul3A_31 = arith.constant 8 : i32
    %mul3A_32 = arith.muli %mul3A_31, %arg0 : i32
    %add3A_33 = arith.constant 1 : i32
    %add3A_34 = arith.addi %mul3A_32, %add3A_33 : i32
    %mul3A_35 = arith.constant 8 : i32
    %mul3A_36 = arith.muli %mul3A_35, %arg1 : i32
    %multiple_of3A_37 = tpu.assume_multiple %mul3A_36, 8 : i32
    %dma_start3A_38 = arith.constant 0 : i32
    %dma_start3A_39 = tpu.memref_slice %arg5[%multiple_of3A_37, %dma_start3A_38] : memref<128x3968xf32, #tpu.memory_space<vmem_shared>> -> memref<8x3968xf32, #tpu.memory_space<vmem_shared>>
    %dma_start3A_40 = arith.constant 0 : i32
    %dma_start3A_41 = arith.constant 0 : i32
    %dma_start3A_42 = tpu.memref_slice %arg2[%add3A_34, %arg1, %dma_start3A_40, %dma_start3A_41] : memref<16x16x8x3968xf32, #tpu.memory_space<hbm>> -> memref<1x1x8x3968xf32, #tpu.memory_space<hbm>>
    %dma_start3A_43 = tpu.memref_squeeze %dma_start3A_42 : memref<1x1x8x3968xf32, #tpu.memory_space<hbm>> -> memref<8x3968xf32, #tpu.memory_space<hbm>>
    tpu.enqueue_dma source(%dma_start3A_43 : memref<8x3968xf32, #tpu.memory_space<hbm>>) target(%dma_start3A_39 : memref<8x3968xf32, #tpu.memory_space<vmem_shared>>) target_semaphore(%arg7 : memref<!tpu.dma_semaphore, #tpu.memory_space<semaphore_mem>>)
    %dma_wait3A_44 = arith.constant 0 : i32
    %dma_wait3A_45 = tpu.memref_slice %arg5[%multiple_of3A_37, %dma_wait3A_44] : memref<128x3968xf32, #tpu.memory_space<vmem_shared>> -> memref<8x3968xf32, #tpu.memory_space<vmem_shared>>
    %dma_wait3A_46 = arith.constant 0 : i32
    %dma_wait3A_47 = arith.constant 0 : i32
    %dma_wait3A_48 = tpu.memref_slice %arg2[%add3A_34, %arg1, %dma_wait3A_46, %dma_wait3A_47] : memref<16x16x8x3968xf32, #tpu.memory_space<hbm>> -> memref<1x1x8x3968xf32, #tpu.memory_space<hbm>>
    %dma_wait3A_49 = tpu.memref_squeeze %dma_wait3A_48 : memref<1x1x8x3968xf32, #tpu.memory_space<hbm>> -> memref<8x3968xf32, #tpu.memory_space<hbm>>
    tpu.wait_dma2 semaphore(%arg7 : memref<!tpu.dma_semaphore, #tpu.memory_space<semaphore_mem>>) src(%dma_wait3A_49 : memref<8x3968xf32, #tpu.memory_space<hbm>>) dst(%dma_wait3A_45 : memref<8x3968xf32, #tpu.memory_space<vmem_shared>>)
    %barrier3A_50 = arith.constant 0 : index
    tpu.barrier barrier_id(%barrier3A_50)
    %mul3A_51 = arith.constant 8 : i32
    %mul3A_52 = arith.muli %mul3A_51, %arg0 : i32
    %add3A_53 = arith.constant 1 : i32
    %add3A_54 = arith.addi %mul3A_52, %add3A_53 : i32
    %sub3A_55 = arith.constant 15 : i32
    %sub3A_56 = arith.subi %sub3A_55, %arg1 : i32
    %mul3A_57 = arith.constant 128 : i32
    %mul3A_58 = arith.muli %mul3A_57, %sub3A_56 : i32
    %multiple_of3A_59 = tpu.assume_multiple %mul3A_58, 128 : i32
    %mul3A_60 = arith.constant 128 : i32
    %mul3A_61 = arith.muli %mul3A_60, %arg1 : i32
    %multiple_of3A_62 = tpu.assume_multiple %mul3A_61, 8 : i32
    %dma_start3A_63 = arith.constant 0 : i32
    %dma_start3A_64 = tpu.memref_slice %arg3[%add3A_54, %multiple_of3A_62, %dma_start3A_63] : memref<16x2048x2048xf32, #tpu.memory_space<hbm>> -> memref<1x128x2048xf32, #tpu.memory_space<hbm>>
    %dma_start3A_65 = tpu.memref_squeeze %dma_start3A_64 : memref<1x128x2048xf32, #tpu.memory_space<hbm>> -> memref<128x2048xf32, #tpu.memory_space<hbm>>
    %dma_start3A_66 = arith.constant 0 : i32
    %dma_start3A_67 = tpu.memref_slice %arg5[%dma_start3A_66, %multiple_of3A_59] : memref<128x3968xf32, #tpu.memory_space<vmem_shared>> -> memref<128x2048xf32, #tpu.memory_space<vmem_shared>>
    tpu.enqueue_dma source(%dma_start3A_67 : memref<128x2048xf32, #tpu.memory_space<vmem_shared>>) target(%dma_start3A_65 : memref<128x2048xf32, #tpu.memory_space<hbm>>) target_semaphore(%arg9 : memref<!tpu.dma_semaphore, #tpu.memory_space<semaphore_mem>>)
    %dma_wait3A_68 = arith.constant 0 : i32
    %dma_wait3A_69 = tpu.memref_slice %arg3[%add3A_17, %multiple_of3A_24, %dma_wait3A_68] : memref<16x2048x2048xf32, #tpu.memory_space<hbm>> -> memref<1x128x2048xf32, #tpu.memory_space<hbm>>
    %dma_wait3A_70 = tpu.memref_squeeze %dma_wait3A_69 : memref<1x128x2048xf32, #tpu.memory_space<hbm>> -> memref<128x2048xf32, #tpu.memory_space<hbm>>
    %dma_wait3A_71 = arith.constant 0 : i32
    %dma_wait3A_72 = tpu.memref_slice %arg4[%dma_wait3A_71, %multiple_of3A_21] : memref<128x3968xf32, #tpu.memory_space<vmem_shared>> -> memref<128x2048xf32, #tpu.memory_space<vmem_shared>>
    tpu.wait_dma2 semaphore(%arg8 : memref<!tpu.dma_semaphore, #tpu.memory_space<semaphore_mem>>) src(%dma_wait3A_72 : memref<128x2048xf32, #tpu.memory_space<vmem_shared>>) dst(%dma_wait3A_70 : memref<128x2048xf32, #tpu.memory_space<hbm>>)
    %barrier3A_73 = arith.constant 0 : index
    tpu.barrier barrier_id(%barrier3A_73)
    %mul3A_74 = arith.constant 8 : i32
    %mul3A_75 = arith.muli %mul3A_74, %arg0 : i32
    %add3A_76 = arith.constant 2 : i32
    %add3A_77 = arith.addi %mul3A_75, %add3A_76 : i32
    %mul3A_78 = arith.constant 8 : i32
    %mul3A_79 = arith.muli %mul3A_78, %arg1 : i32
    %multiple_of3A_80 = tpu.assume_multiple %mul3A_79, 8 : i32
    %dma_start3A_81 = arith.constant 0 : i32
    %dma_start3A_82 = tpu.memref_slice %arg4[%multiple_of3A_80, %dma_start3A_81] : memref<128x3968xf32, #tpu.memory_space<vmem_shared>> -> memref<8x3968xf32, #tpu.memory_space<vmem_shared>>
    %dma_start3A_83 = arith.constant 0 : i32
    %dma_start3A_84 = arith.constant 0 : i32
    %dma_start3A_85 = tpu.memref_slice %arg2[%add3A_77, %arg1, %dma_start3A_83, %dma_start3A_84] : memref<16x16x8x3968xf32, #tpu.memory_space<hbm>> -> memref<1x1x8x3968xf32, #tpu.memory_space<hbm>>
    %dma_start3A_86 = tpu.memref_squeeze %dma_start3A_85 : memref<1x1x8x3968xf32, #tpu.memory_space<hbm>> -> memref<8x3968xf32, #tpu.memory_space<hbm>>
    tpu.enqueue_dma source(%dma_start3A_86 : memref<8x3968xf32, #tpu.memory_space<hbm>>) target(%dma_start3A_82 : memref<8x3968xf32, #tpu.memory_space<vmem_shared>>) target_semaphore(%arg6 : memref<!tpu.dma_semaphore, #tpu.memory_space<semaphore_mem>>)
    %dma_wait3A_87 = arith.constant 0 : i32
    %dma_wait3A_88 = tpu.memref_slice %arg4[%multiple_of3A_80, %dma_wait3A_87] : memref<128x3968xf32, #tpu.memory_space<vmem_shared>> -> memref<8x3968xf32, #tpu.memory_space<vmem_shared>>
    %dma_wait3A_89 = arith.constant 0 : i32
    %dma_wait3A_90 = arith.constant 0 : i32
    %dma_wait3A_91 = tpu.memref_slice %arg2[%add3A_77, %arg1, %dma_wait3A_89, %dma_wait3A_90] : memref<16x16x8x3968xf32, #tpu.memory_space<hbm>> -> memref<1x1x8x3968xf32, #tpu.memory_space<hbm>>
    %dma_wait3A_92 = tpu.memref_squeeze %dma_wait3A_91 : memref<1x1x8x3968xf32, #tpu.memory_space<hbm>> -> memref<8x3968xf32, #tpu.memory_space<hbm>>
    tpu.wait_dma2 semaphore(%arg6 : memref<!tpu.dma_semaphore, #tpu.memory_space<semaphore_mem>>) src(%dma_wait3A_92 : memref<8x3968xf32, #tpu.memory_space<hbm>>) dst(%dma_wait3A_88 : memref<8x3968xf32, #tpu.memory_space<vmem_shared>>)
    %barrier3A_93 = arith.constant 0 : index
    tpu.barrier barrier_id(%barrier3A_93)
    %mul3A_94 = arith.constant 8 : i32
    %mul3A_95 = arith.muli %mul3A_94, %arg0 : i32
    %add3A_96 = arith.constant 2 : i32
    %add3A_97 = arith.addi %mul3A_95, %add3A_96 : i32
    %sub3A_98 = arith.constant 15 : i32
    %sub3A_99 = arith.subi %sub3A_98, %arg1 : i32
    %mul3A_100 = arith.constant 128 : i32
    %mul3A_101 = arith.muli %mul3A_100, %sub3A_99 : i32
    %multiple_of3A_102 = tpu.assume_multiple %mul3A_101, 128 : i32
    %mul3A_103 = arith.constant 128 : i32
    %mul3A_104 = arith.muli %mul3A_103, %arg1 : i32
    %multiple_of3A_105 = tpu.assume_multiple %mul3A_104, 8 : i32
    %dma_start3A_106 = arith.constant 0 : i32
    %dma_start3A_107 = tpu.memref_slice %arg3[%add3A_97, %multiple_of3A_105, %dma_start3A_106] : memref<16x2048x2048xf32, #tpu.memory_space<hbm>> -> memref<1x128x2048xf32, #tpu.memory_space<hbm>>
    %dma_start3A_108 = tpu.memref_squeeze %dma_start3A_107 : memref<1x128x2048xf32, #tpu.memory_space<hbm>> -> memref<128x2048xf32, #tpu.memory_space<hbm>>
    %dma_start3A_109 = arith.constant 0 : i32
    %dma_start3A_110 = tpu.memref_slice %arg4[%dma_start3A_109, %multiple_of3A_102] : memref<128x3968xf32, #tpu.memory_space<vmem_shared>> -> memref<128x2048xf32, #tpu.memory_space<vmem_shared>>
    tpu.enqueue_dma source(%dma_start3A_110 : memref<128x2048xf32, #tpu.memory_space<vmem_shared>>) target(%dma_start3A_108 : memref<128x2048xf32, #tpu.memory_space<hbm>>) target_semaphore(%arg8 : memref<!tpu.dma_semaphore, #tpu.memory_space<semaphore_mem>>)
    %dma_wait3A_111 = arith.constant 0 : i32
    %dma_wait3A_112 = tpu.memref_slice %arg3[%add3A_54, %multiple_of3A_62, %dma_wait3A_111] : memref<16x2048x2048xf32, #tpu.memory_space<hbm>> -> memref<1x128x2048xf32, #tpu.memory_space<hbm>>
    %dma_wait3A_113 = tpu.memref_squeeze %dma_wait3A_112 : memref<1x128x2048xf32, #tpu.memory_space<hbm>> -> memref<128x2048xf32, #tpu.memory_space<hbm>>
    %dma_wait3A_114 = arith.constant 0 : i32
    %dma_wait3A_115 = tpu.memref_slice %arg5[%dma_wait3A_114, %multiple_of3A_59] : memref<128x3968xf32, #tpu.memory_space<vmem_shared>> -> memref<128x2048xf32, #tpu.memory_space<vmem_shared>>
    tpu.wait_dma2 semaphore(%arg9 : memref<!tpu.dma_semaphore, #tpu.memory_space<semaphore_mem>>) src(%dma_wait3A_115 : memref<128x2048xf32, #tpu.memory_space<vmem_shared>>) dst(%dma_wait3A_113 : memref<128x2048xf32, #tpu.memory_space<hbm>>)
    %barrier3A_116 = arith.constant 0 : index
    tpu.barrier barrier_id(%barrier3A_116)
    %mul3A_117 = arith.constant 8 : i32
    %mul3A_118 = arith.muli %mul3A_117, %arg0 : i32
    %add3A_119 = arith.constant 3 : i32
    %add3A_120 = arith.addi %mul3A_118, %add3A_119 : i32
    %mul3A_121 = arith.constant 8 : i32
    %mul3A_122 = arith.muli %mul3A_121, %arg1 : i32
    %multiple_of3A_123 = tpu.assume_multiple %mul3A_122, 8 : i32
    %dma_start3A_124 = arith.constant 0 : i32
    %dma_start3A_125 = tpu.memref_slice %arg5[%multiple_of3A_123, %dma_start3A_124] : memref<128x3968xf32, #tpu.memory_space<vmem_shared>> -> memref<8x3968xf32, #tpu.memory_space<vmem_shared>>
    %dma_start3A_126 = arith.constant 0 : i32
    %dma_start3A_127 = arith.constant 0 : i32
    %dma_start3A_128 = tpu.memref_slice %arg2[%add3A_120, %arg1, %dma_start3A_126, %dma_start3A_127] : memref<16x16x8x3968xf32, #tpu.memory_space<hbm>> -> memref<1x1x8x3968xf32, #tpu.memory_space<hbm>>
    %dma_start3A_129 = tpu.memref_squeeze %dma_start3A_128 : memref<1x1x8x3968xf32, #tpu.memory_space<hbm>> -> memref<8x3968xf32, #tpu.memory_space<hbm>>
    tpu.enqueue_dma source(%dma_start3A_129 : memref<8x3968xf32, #tpu.memory_space<hbm>>) target(%dma_start3A_125 : memref<8x3968xf32, #tpu.memory_space<vmem_shared>>) target_semaphore(%arg7 : memref<!tpu.dma_semaphore, #tpu.memory_space<semaphore_mem>>)
    %dma_wait3A_130 = arith.constant 0 : i32
    %dma_wait3A_131 = tpu.memref_slice %arg5[%multiple_of3A_123, %dma_wait3A_130] : memref<128x3968xf32, #tpu.memory_space<vmem_shared>> -> memref<8x3968xf32, #tpu.memory_space<vmem_shared>>
    %dma_wait3A_132 = arith.constant 0 : i32
    %dma_wait3A_133 = arith.constant 0 : i32
    %dma_wait3A_134 = tpu.memref_slice %arg2[%add3A_120, %arg1, %dma_wait3A_132, %dma_wait3A_133] : memref<16x16x8x3968xf32, #tpu.memory_space<hbm>> -> memref<1x1x8x3968xf32, #tpu.memory_space<hbm>>
    %dma_wait3A_135 = tpu.memref_squeeze %dma_wait3A_134 : memref<1x1x8x3968xf32, #tpu.memory_space<hbm>> -> memref<8x3968xf32, #tpu.memory_space<hbm>>
    tpu.wait_dma2 semaphore(%arg7 : memref<!tpu.dma_semaphore, #tpu.memory_space<semaphore_mem>>) src(%dma_wait3A_135 : memref<8x3968xf32, #tpu.memory_space<hbm>>) dst(%dma_wait3A_131 : memref<8x3968xf32, #tpu.memory_space<vmem_shared>>)
    %barrier3A_136 = arith.constant 0 : index
    tpu.barrier barrier_id(%barrier3A_136)
    %mul3A_137 = arith.constant 8 : i32
    %mul3A_138 = arith.muli %mul3A_137, %arg0 : i32
    %add3A_139 = arith.constant 3 : i32
    %add3A_140 = arith.addi %mul3A_138, %add3A_139 : i32
    %sub3A_141 = arith.constant 15 : i32
    %sub3A_142 = arith.subi %sub3A_141, %arg1 : i32
    %mul3A_143 = arith.constant 128 : i32
    %mul3A_144 = arith.muli %mul3A_143, %sub3A_142 : i32
    %multiple_of3A_145 = tpu.assume_multiple %mul3A_144, 128 : i32
    %mul3A_146 = arith.constant 128 : i32
    %mul3A_147 = arith.muli %mul3A_146, %arg1 : i32
    %multiple_of3A_148 = tpu.assume_multiple %mul3A_147, 8 : i32
    %dma_start3A_149 = arith.constant 0 : i32
    %dma_start3A_150 = tpu.memref_slice %arg3[%add3A_140, %multiple_of3A_148, %dma_start3A_149] : memref<16x2048x2048xf32, #tpu.memory_space<hbm>> -> memref<1x128x2048xf32, #tpu.memory_space<hbm>>
    %dma_start3A_151 = tpu.memref_squeeze %dma_start3A_150 : memref<1x128x2048xf32, #tpu.memory_space<hbm>> -> memref<128x2048xf32, #tpu.memory_space<hbm>>
    %dma_start3A_152 = arith.constant 0 : i32
    %dma_start3A_153 = tpu.memref_slice %arg5[%dma_start3A_152, %multiple_of3A_145] : memref<128x3968xf32, #tpu.memory_space<vmem_shared>> -> memref<128x2048xf32, #tpu.memory_space<vmem_shared>>
    tpu.enqueue_dma source(%dma_start3A_153 : memref<128x2048xf32, #tpu.memory_space<vmem_shared>>) target(%dma_start3A_151 : memref<128x2048xf32, #tpu.memory_space<hbm>>) target_semaphore(%arg9 : memref<!tpu.dma_semaphore, #tpu.memory_space<semaphore_mem>>)
    %dma_wait3A_154 = arith.constant 0 : i32
    %dma_wait3A_155 = tpu.memref_slice %arg3[%add3A_97, %multiple_of3A_105, %dma_wait3A_154] : memref<16x2048x2048xf32, #tpu.memory_space<hbm>> -> memref<1x128x2048xf32, #tpu.memory_space<hbm>>
    %dma_wait3A_156 = tpu.memref_squeeze %dma_wait3A_155 : memref<1x128x2048xf32, #tpu.memory_space<hbm>> -> memref<128x2048xf32, #tpu.memory_space<hbm>>
    %dma_wait3A_157 = arith.constant 0 : i32
    %dma_wait3A_158 = tpu.memref_slice %arg4[%dma_wait3A_157, %multiple_of3A_102] : memref<128x3968xf32, #tpu.memory_space<vmem_shared>> -> memref<128x2048xf32, #tpu.memory_space<vmem_shared>>
    tpu.wait_dma2 semaphore(%arg8 : memref<!tpu.dma_semaphore, #tpu.memory_space<semaphore_mem>>) src(%dma_wait3A_158 : memref<128x2048xf32, #tpu.memory_space<vmem_shared>>) dst(%dma_wait3A_156 : memref<128x2048xf32, #tpu.memory_space<hbm>>)
    %barrier3A_159 = arith.constant 0 : index
    tpu.barrier barrier_id(%barrier3A_159)
    %mul3A_160 = arith.constant 8 : i32
    %mul3A_161 = arith.muli %mul3A_160, %arg0 : i32
    %add3A_162 = arith.constant 4 : i32
    %add3A_163 = arith.addi %mul3A_161, %add3A_162 : i32
    %mul3A_164 = arith.constant 8 : i32
    %mul3A_165 = arith.muli %mul3A_164, %arg1 : i32
    %multiple_of3A_166 = tpu.assume_multiple %mul3A_165, 8 : i32
    %dma_start3A_167 = arith.constant 0 : i32
    %dma_start3A_168 = tpu.memref_slice %arg4[%multiple_of3A_166, %dma_start3A_167] : memref<128x3968xf32, #tpu.memory_space<vmem_shared>> -> memref<8x3968xf32, #tpu.memory_space<vmem_shared>>
    %dma_start3A_169 = arith.constant 0 : i32
    %dma_start3A_170 = arith.constant 0 : i32
    %dma_start3A_171 = tpu.memref_slice %arg2[%add3A_163, %arg1, %dma_start3A_169, %dma_start3A_170] : memref<16x16x8x3968xf32, #tpu.memory_space<hbm>> -> memref<1x1x8x3968xf32, #tpu.memory_space<hbm>>
    %dma_start3A_172 = tpu.memref_squeeze %dma_start3A_171 : memref<1x1x8x3968xf32, #tpu.memory_space<hbm>> -> memref<8x3968xf32, #tpu.memory_space<hbm>>
    tpu.enqueue_dma source(%dma_start3A_172 : memref<8x3968xf32, #tpu.memory_space<hbm>>) target(%dma_start3A_168 : memref<8x3968xf32, #tpu.memory_space<vmem_shared>>) target_semaphore(%arg6 : memref<!tpu.dma_semaphore, #tpu.memory_space<semaphore_mem>>)
    %dma_wait3A_173 = arith.constant 0 : i32
    %dma_wait3A_174 = tpu.memref_slice %arg4[%multiple_of3A_166, %dma_wait3A_173] : memref<128x3968xf32, #tpu.memory_space<vmem_shared>> -> memref<8x3968xf32, #tpu.memory_space<vmem_shared>>
    %dma_wait3A_175 = arith.constant 0 : i32
    %dma_wait3A_176 = arith.constant 0 : i32
    %dma_wait3A_177 = tpu.memref_slice %arg2[%add3A_163, %arg1, %dma_wait3A_175, %dma_wait3A_176] : memref<16x16x8x3968xf32, #tpu.memory_space<hbm>> -> memref<1x1x8x3968xf32, #tpu.memory_space<hbm>>
    %dma_wait3A_178 = tpu.memref_squeeze %dma_wait3A_177 : memref<1x1x8x3968xf32, #tpu.memory_space<hbm>> -> memref<8x3968xf32, #tpu.memory_space<hbm>>
    tpu.wait_dma2 semaphore(%arg6 : memref<!tpu.dma_semaphore, #tpu.memory_space<semaphore_mem>>) src(%dma_wait3A_178 : memref<8x3968xf32, #tpu.memory_space<hbm>>) dst(%dma_wait3A_174 : memref<8x3968xf32, #tpu.memory_space<vmem_shared>>)
    %barrier3A_179 = arith.constant 0 : index
    tpu.barrier barrier_id(%barrier3A_179)
    %mul3A_180 = arith.constant 8 : i32
    %mul3A_181 = arith.muli %mul3A_180, %arg0 : i32
    %add3A_182 = arith.constant 4 : i32
    %add3A_183 = arith.addi %mul3A_181, %add3A_182 : i32
    %sub3A_184 = arith.constant 15 : i32
    %sub3A_185 = arith.subi %sub3A_184, %arg1 : i32
    %mul3A_186 = arith.constant 128 : i32
    %mul3A_187 = arith.muli %mul3A_186, %sub3A_185 : i32
    %multiple_of3A_188 = tpu.assume_multiple %mul3A_187, 128 : i32
    %mul3A_189 = arith.constant 128 : i32
    %mul3A_190 = arith.muli %mul3A_189, %arg1 : i32
    %multiple_of3A_191 = tpu.assume_multiple %mul3A_190, 8 : i32
    %dma_start3A_192 = arith.constant 0 : i32
    %dma_start3A_193 = tpu.memref_slice %arg3[%add3A_183, %multiple_of3A_191, %dma_start3A_192] : memref<16x2048x2048xf32, #tpu.memory_space<hbm>> -> memref<1x128x2048xf32, #tpu.memory_space<hbm>>
    %dma_start3A_194 = tpu.memref_squeeze %dma_start3A_193 : memref<1x128x2048xf32, #tpu.memory_space<hbm>> -> memref<128x2048xf32, #tpu.memory_space<hbm>>
    %dma_start3A_195 = arith.constant 0 : i32
    %dma_start3A_196 = tpu.memref_slice %arg4[%dma_start3A_195, %multiple_of3A_188] : memref<128x3968xf32, #tpu.memory_space<vmem_shared>> -> memref<128x2048xf32, #tpu.memory_space<vmem_shared>>
    tpu.enqueue_dma source(%dma_start3A_196 : memref<128x2048xf32, #tpu.memory_space<vmem_shared>>) target(%dma_start3A_194 : memref<128x2048xf32, #tpu.memory_space<hbm>>) target_semaphore(%arg8 : memref<!tpu.dma_semaphore, #tpu.memory_space<semaphore_mem>>)
    %dma_wait3A_197 = arith.constant 0 : i32
    %dma_wait3A_198 = tpu.memref_slice %arg3[%add3A_140, %multiple_of3A_148, %dma_wait3A_197] : memref<16x2048x2048xf32, #tpu.memory_space<hbm>> -> memref<1x128x2048xf32, #tpu.memory_space<hbm>>
    %dma_wait3A_199 = tpu.memref_squeeze %dma_wait3A_198 : memref<1x128x2048xf32, #tpu.memory_space<hbm>> -> memref<128x2048xf32, #tpu.memory_space<hbm>>
    %dma_wait3A_200 = arith.constant 0 : i32
    %dma_wait3A_201 = tpu.memref_slice %arg5[%dma_wait3A_200, %multiple_of3A_145] : memref<128x3968xf32, #tpu.memory_space<vmem_shared>> -> memref<128x2048xf32, #tpu.memory_space<vmem_shared>>
    tpu.wait_dma2 semaphore(%arg9 : memref<!tpu.dma_semaphore, #tpu.memory_space<semaphore_mem>>) src(%dma_wait3A_201 : memref<128x2048xf32, #tpu.memory_space<vmem_shared>>) dst(%dma_wait3A_199 : memref<128x2048xf32, #tpu.memory_space<hbm>>)
    %barrier3A_202 = arith.constant 0 : index
    tpu.barrier barrier_id(%barrier3A_202)
    %mul3A_203 = arith.constant 8 : i32
    %mul3A_204 = arith.muli %mul3A_203, %arg0 : i32
    %add3A_205 = arith.constant 5 : i32
    %add3A_206 = arith.addi %mul3A_204, %add3A_205 : i32
    %mul3A_207 = arith.constant 8 : i32
    %mul3A_208 = arith.muli %mul3A_207, %arg1 : i32
    %multiple_of3A_209 = tpu.assume_multiple %mul3A_208, 8 : i32
    %dma_start3A_210 = arith.constant 0 : i32
    %dma_start3A_211 = tpu.memref_slice %arg5[%multiple_of3A_209, %dma_start3A_210] : memref<128x3968xf32, #tpu.memory_space<vmem_shared>> -> memref<8x3968xf32, #tpu.memory_space<vmem_shared>>
    %dma_start3A_212 = arith.constant 0 : i32
    %dma_start3A_213 = arith.constant 0 : i32
    %dma_start3A_214 = tpu.memref_slice %arg2[%add3A_206, %arg1, %dma_start3A_212, %dma_start3A_213] : memref<16x16x8x3968xf32, #tpu.memory_space<hbm>> -> memref<1x1x8x3968xf32, #tpu.memory_space<hbm>>
    %dma_start3A_215 = tpu.memref_squeeze %dma_start3A_214 : memref<1x1x8x3968xf32, #tpu.memory_space<hbm>> -> memref<8x3968xf32, #tpu.memory_space<hbm>>
    tpu.enqueue_dma source(%dma_start3A_215 : memref<8x3968xf32, #tpu.memory_space<hbm>>) target(%dma_start3A_211 : memref<8x3968xf32, #tpu.memory_space<vmem_shared>>) target_semaphore(%arg7 : memref<!tpu.dma_semaphore, #tpu.memory_space<semaphore_mem>>)
    %dma_wait3A_216 = arith.constant 0 : i32
    %dma_wait3A_217 = tpu.memref_slice %arg5[%multiple_of3A_209, %dma_wait3A_216] : memref<128x3968xf32, #tpu.memory_space<vmem_shared>> -> memref<8x3968xf32, #tpu.memory_space<vmem_shared>>
    %dma_wait3A_218 = arith.constant 0 : i32
    %dma_wait3A_219 = arith.constant 0 : i32
    %dma_wait3A_220 = tpu.memref_slice %arg2[%add3A_206, %arg1, %dma_wait3A_218, %dma_wait3A_219] : memref<16x16x8x3968xf32, #tpu.memory_space<hbm>> -> memref<1x1x8x3968xf32, #tpu.memory_space<hbm>>
    %dma_wait3A_221 = tpu.memref_squeeze %dma_wait3A_220 : memref<1x1x8x3968xf32, #tpu.memory_space<hbm>> -> memref<8x3968xf32, #tpu.memory_space<hbm>>
    tpu.wait_dma2 semaphore(%arg7 : memref<!tpu.dma_semaphore, #tpu.memory_space<semaphore_mem>>) src(%dma_wait3A_221 : memref<8x3968xf32, #tpu.memory_space<hbm>>) dst(%dma_wait3A_217 : memref<8x3968xf32, #tpu.memory_space<vmem_shared>>)
    %barrier3A_222 = arith.constant 0 : index
    tpu.barrier barrier_id(%barrier3A_222)
    %mul3A_223 = arith.constant 8 : i32
    %mul3A_224 = arith.muli %mul3A_223, %arg0 : i32
    %add3A_225 = arith.constant 5 : i32
    %add3A_226 = arith.addi %mul3A_224, %add3A_225 : i32
    %sub3A_227 = arith.constant 15 : i32
    %sub3A_228 = arith.subi %sub3A_227, %arg1 : i32
    %mul3A_229 = arith.constant 128 : i32
    %mul3A_230 = arith.muli %mul3A_229, %sub3A_228 : i32
    %multiple_of3A_231 = tpu.assume_multiple %mul3A_230, 128 : i32
    %mul3A_232 = arith.constant 128 : i32
    %mul3A_233 = arith.muli %mul3A_232, %arg1 : i32
    %multiple_of3A_234 = tpu.assume_multiple %mul3A_233, 8 : i32
    %dma_start3A_235 = arith.constant 0 : i32
    %dma_start3A_236 = tpu.memref_slice %arg3[%add3A_226, %multiple_of3A_234, %dma_start3A_235] : memref<16x2048x2048xf32, #tpu.memory_space<hbm>> -> memref<1x128x2048xf32, #tpu.memory_space<hbm>>
    %dma_start3A_237 = tpu.memref_squeeze %dma_start3A_236 : memref<1x128x2048xf32, #tpu.memory_space<hbm>> -> memref<128x2048xf32, #tpu.memory_space<hbm>>
    %dma_start3A_238 = arith.constant 0 : i32
    %dma_start3A_239 = tpu.memref_slice %arg5[%dma_start3A_238, %multiple_of3A_231] : memref<128x3968xf32, #tpu.memory_space<vmem_shared>> -> memref<128x2048xf32, #tpu.memory_space<vmem_shared>>
    tpu.enqueue_dma source(%dma_start3A_239 : memref<128x2048xf32, #tpu.memory_space<vmem_shared>>) target(%dma_start3A_237 : memref<128x2048xf32, #tpu.memory_space<hbm>>) target_semaphore(%arg9 : memref<!tpu.dma_semaphore, #tpu.memory_space<semaphore_mem>>)
    %dma_wait3A_240 = arith.constant 0 : i32
    %dma_wait3A_241 = tpu.memref_slice %arg3[%add3A_183, %multiple_of3A_191, %dma_wait3A_240] : memref<16x2048x2048xf32, #tpu.memory_space<hbm>> -> memref<1x128x2048xf32, #tpu.memory_space<hbm>>
    %dma_wait3A_242 = tpu.memref_squeeze %dma_wait3A_241 : memref<1x128x2048xf32, #tpu.memory_space<hbm>> -> memref<128x2048xf32, #tpu.memory_space<hbm>>
    %dma_wait3A_243 = arith.constant 0 : i32
    %dma_wait3A_244 = tpu.memref_slice %arg4[%dma_wait3A_243, %multiple_of3A_188] : memref<128x3968xf32, #tpu.memory_space<vmem_shared>> -> memref<128x2048xf32, #tpu.memory_space<vmem_shared>>
    tpu.wait_dma2 semaphore(%arg8 : memref<!tpu.dma_semaphore, #tpu.memory_space<semaphore_mem>>) src(%dma_wait3A_244 : memref<128x2048xf32, #tpu.memory_space<vmem_shared>>) dst(%dma_wait3A_242 : memref<128x2048xf32, #tpu.memory_space<hbm>>)
    %barrier3A_245 = arith.constant 0 : index
    tpu.barrier barrier_id(%barrier3A_245)
    %mul3A_246 = arith.constant 8 : i32
    %mul3A_247 = arith.muli %mul3A_246, %arg0 : i32
    %add3A_248 = arith.constant 6 : i32
    %add3A_249 = arith.addi %mul3A_247, %add3A_248 : i32
    %mul3A_250 = arith.constant 8 : i32
    %mul3A_251 = arith.muli %mul3A_250, %arg1 : i32
    %multiple_of3A_252 = tpu.assume_multiple %mul3A_251, 8 : i32
    %dma_start3A_253 = arith.constant 0 : i32
    %dma_start3A_254 = tpu.memref_slice %arg4[%multiple_of3A_252, %dma_start3A_253] : memref<128x3968xf32, #tpu.memory_space<vmem_shared>> -> memref<8x3968xf32, #tpu.memory_space<vmem_shared>>
    %dma_start3A_255 = arith.constant 0 : i32
    %dma_start3A_256 = arith.constant 0 : i32
    %dma_start3A_257 = tpu.memref_slice %arg2[%add3A_249, %arg1, %dma_start3A_255, %dma_start3A_256] : memref<16x16x8x3968xf32, #tpu.memory_space<hbm>> -> memref<1x1x8x3968xf32, #tpu.memory_space<hbm>>
    %dma_start3A_258 = tpu.memref_squeeze %dma_start3A_257 : memref<1x1x8x3968xf32, #tpu.memory_space<hbm>> -> memref<8x3968xf32, #tpu.memory_space<hbm>>
    tpu.enqueue_dma source(%dma_start3A_258 : memref<8x3968xf32, #tpu.memory_space<hbm>>) target(%dma_start3A_254 : memref<8x3968xf32, #tpu.memory_space<vmem_shared>>) target_semaphore(%arg6 : memref<!tpu.dma_semaphore, #tpu.memory_space<semaphore_mem>>)
    %dma_wait3A_259 = arith.constant 0 : i32
    %dma_wait3A_260 = tpu.memref_slice %arg4[%multiple_of3A_252, %dma_wait3A_259] : memref<128x3968xf32, #tpu.memory_space<vmem_shared>> -> memref<8x3968xf32, #tpu.memory_space<vmem_shared>>
    %dma_wait3A_261 = arith.constant 0 : i32
    %dma_wait3A_262 = arith.constant 0 : i32
    %dma_wait3A_263 = tpu.memref_slice %arg2[%add3A_249, %arg1, %dma_wait3A_261, %dma_wait3A_262] : memref<16x16x8x3968xf32, #tpu.memory_space<hbm>> -> memref<1x1x8x3968xf32, #tpu.memory_space<hbm>>
    %dma_wait3A_264 = tpu.memref_squeeze %dma_wait3A_263 : memref<1x1x8x3968xf32, #tpu.memory_space<hbm>> -> memref<8x3968xf32, #tpu.memory_space<hbm>>
    tpu.wait_dma2 semaphore(%arg6 : memref<!tpu.dma_semaphore, #tpu.memory_space<semaphore_mem>>) src(%dma_wait3A_264 : memref<8x3968xf32, #tpu.memory_space<hbm>>) dst(%dma_wait3A_260 : memref<8x3968xf32, #tpu.memory_space<vmem_shared>>)
    %barrier3A_265 = arith.constant 0 : index
    tpu.barrier barrier_id(%barrier3A_265)
    %mul3A_266 = arith.constant 8 : i32
    %mul3A_267 = arith.muli %mul3A_266, %arg0 : i32
    %add3A_268 = arith.constant 6 : i32
    %add3A_269 = arith.addi %mul3A_267, %add3A_268 : i32
    %sub3A_270 = arith.constant 15 : i32
    %sub3A_271 = arith.subi %sub3A_270, %arg1 : i32
    %mul3A_272 = arith.constant 128 : i32
    %mul3A_273 = arith.muli %mul3A_272, %sub3A_271 : i32
    %multiple_of3A_274 = tpu.assume_multiple %mul3A_273, 128 : i32
    %mul3A_275 = arith.constant 128 : i32
    %mul3A_276 = arith.muli %mul3A_275, %arg1 : i32
    %multiple_of3A_277 = tpu.assume_multiple %mul3A_276, 8 : i32
    %dma_start3A_278 = arith.constant 0 : i32
    %dma_start3A_279 = tpu.memref_slice %arg3[%add3A_269, %multiple_of3A_277, %dma_start3A_278] : memref<16x2048x2048xf32, #tpu.memory_space<hbm>> -> memref<1x128x2048xf32, #tpu.memory_space<hbm>>
    %dma_start3A_280 = tpu.memref_squeeze %dma_start3A_279 : memref<1x128x2048xf32, #tpu.memory_space<hbm>> -> memref<128x2048xf32, #tpu.memory_space<hbm>>
    %dma_start3A_281 = arith.constant 0 : i32
    %dma_start3A_282 = tpu.memref_slice %arg4[%dma_start3A_281, %multiple_of3A_274] : memref<128x3968xf32, #tpu.memory_space<vmem_shared>> -> memref<128x2048xf32, #tpu.memory_space<vmem_shared>>
    tpu.enqueue_dma source(%dma_start3A_282 : memref<128x2048xf32, #tpu.memory_space<vmem_shared>>) target(%dma_start3A_280 : memref<128x2048xf32, #tpu.memory_space<hbm>>) target_semaphore(%arg8 : memref<!tpu.dma_semaphore, #tpu.memory_space<semaphore_mem>>)
    %dma_wait3A_283 = arith.constant 0 : i32
    %dma_wait3A_284 = tpu.memref_slice %arg3[%add3A_226, %multiple_of3A_234, %dma_wait3A_283] : memref<16x2048x2048xf32, #tpu.memory_space<hbm>> -> memref<1x128x2048xf32, #tpu.memory_space<hbm>>
    %dma_wait3A_285 = tpu.memref_squeeze %dma_wait3A_284 : memref<1x128x2048xf32, #tpu.memory_space<hbm>> -> memref<128x2048xf32, #tpu.memory_space<hbm>>
    %dma_wait3A_286 = arith.constant 0 : i32
    %dma_wait3A_287 = tpu.memref_slice %arg5[%dma_wait3A_286, %multiple_of3A_231] : memref<128x3968xf32, #tpu.memory_space<vmem_shared>> -> memref<128x2048xf32, #tpu.memory_space<vmem_shared>>
    tpu.wait_dma2 semaphore(%arg9 : memref<!tpu.dma_semaphore, #tpu.memory_space<semaphore_mem>>) src(%dma_wait3A_287 : memref<128x2048xf32, #tpu.memory_space<vmem_shared>>) dst(%dma_wait3A_285 : memref<128x2048xf32, #tpu.memory_space<hbm>>)
    %barrier3A_288 = arith.constant 0 : index
    tpu.barrier barrier_id(%barrier3A_288)
    %mul3A_289 = arith.constant 8 : i32
    %mul3A_290 = arith.muli %mul3A_289, %arg0 : i32
    %add3A_291 = arith.constant 7 : i32
    %add3A_292 = arith.addi %mul3A_290, %add3A_291 : i32
    %mul3A_293 = arith.constant 8 : i32
    %mul3A_294 = arith.muli %mul3A_293, %arg1 : i32
    %multiple_of3A_295 = tpu.assume_multiple %mul3A_294, 8 : i32
    %dma_start3A_296 = arith.constant 0 : i32
    %dma_start3A_297 = tpu.memref_slice %arg5[%multiple_of3A_295, %dma_start3A_296] : memref<128x3968xf32, #tpu.memory_space<vmem_shared>> -> memref<8x3968xf32, #tpu.memory_space<vmem_shared>>
    %dma_start3A_298 = arith.constant 0 : i32
    %dma_start3A_299 = arith.constant 0 : i32
    %dma_start3A_300 = tpu.memref_slice %arg2[%add3A_292, %arg1, %dma_start3A_298, %dma_start3A_299] : memref<16x16x8x3968xf32, #tpu.memory_space<hbm>> -> memref<1x1x8x3968xf32, #tpu.memory_space<hbm>>
    %dma_start3A_301 = tpu.memref_squeeze %dma_start3A_300 : memref<1x1x8x3968xf32, #tpu.memory_space<hbm>> -> memref<8x3968xf32, #tpu.memory_space<hbm>>
    tpu.enqueue_dma source(%dma_start3A_301 : memref<8x3968xf32, #tpu.memory_space<hbm>>) target(%dma_start3A_297 : memref<8x3968xf32, #tpu.memory_space<vmem_shared>>) target_semaphore(%arg7 : memref<!tpu.dma_semaphore, #tpu.memory_space<semaphore_mem>>)
    %dma_wait3A_302 = arith.constant 0 : i32
    %dma_wait3A_303 = tpu.memref_slice %arg5[%multiple_of3A_295, %dma_wait3A_302] : memref<128x3968xf32, #tpu.memory_space<vmem_shared>> -> memref<8x3968xf32, #tpu.memory_space<vmem_shared>>
    %dma_wait3A_304 = arith.constant 0 : i32
    %dma_wait3A_305 = arith.constant 0 : i32
    %dma_wait3A_306 = tpu.memref_slice %arg2[%add3A_292, %arg1, %dma_wait3A_304, %dma_wait3A_305] : memref<16x16x8x3968xf32, #tpu.memory_space<hbm>> -> memref<1x1x8x3968xf32, #tpu.memory_space<hbm>>
    %dma_wait3A_307 = tpu.memref_squeeze %dma_wait3A_306 : memref<1x1x8x3968xf32, #tpu.memory_space<hbm>> -> memref<8x3968xf32, #tpu.memory_space<hbm>>
    tpu.wait_dma2 semaphore(%arg7 : memref<!tpu.dma_semaphore, #tpu.memory_space<semaphore_mem>>) src(%dma_wait3A_307 : memref<8x3968xf32, #tpu.memory_space<hbm>>) dst(%dma_wait3A_303 : memref<8x3968xf32, #tpu.memory_space<vmem_shared>>)
    %barrier3A_308 = arith.constant 0 : index
    tpu.barrier barrier_id(%barrier3A_308)
    %mul3A_309 = arith.constant 8 : i32
    %mul3A_310 = arith.muli %mul3A_309, %arg0 : i32
    %add3A_311 = arith.constant 7 : i32
    %add3A_312 = arith.addi %mul3A_310, %add3A_311 : i32
    %sub3A_313 = arith.constant 15 : i32
    %sub3A_314 = arith.subi %sub3A_313, %arg1 : i32
    %mul3A_315 = arith.constant 128 : i32
    %mul3A_316 = arith.muli %mul3A_315, %sub3A_314 : i32
    %multiple_of3A_317 = tpu.assume_multiple %mul3A_316, 128 : i32
    %mul3A_318 = arith.constant 128 : i32
    %mul3A_319 = arith.muli %mul3A_318, %arg1 : i32
    %multiple_of3A_320 = tpu.assume_multiple %mul3A_319, 8 : i32
    %dma_start3A_321 = arith.constant 0 : i32
    %dma_start3A_322 = tpu.memref_slice %arg3[%add3A_312, %multiple_of3A_320, %dma_start3A_321] : memref<16x2048x2048xf32, #tpu.memory_space<hbm>> -> memref<1x128x2048xf32, #tpu.memory_space<hbm>>
    %dma_start3A_323 = tpu.memref_squeeze %dma_start3A_322 : memref<1x128x2048xf32, #tpu.memory_space<hbm>> -> memref<128x2048xf32, #tpu.memory_space<hbm>>
    %dma_start3A_324 = arith.constant 0 : i32
    %dma_start3A_325 = tpu.memref_slice %arg5[%dma_start3A_324, %multiple_of3A_317] : memref<128x3968xf32, #tpu.memory_space<vmem_shared>> -> memref<128x2048xf32, #tpu.memory_space<vmem_shared>>
    tpu.enqueue_dma source(%dma_start3A_325 : memref<128x2048xf32, #tpu.memory_space<vmem_shared>>) target(%dma_start3A_323 : memref<128x2048xf32, #tpu.memory_space<hbm>>) target_semaphore(%arg9 : memref<!tpu.dma_semaphore, #tpu.memory_space<semaphore_mem>>)
    %dma_wait3A_326 = arith.constant 0 : i32
    %dma_wait3A_327 = tpu.memref_slice %arg3[%add3A_269, %multiple_of3A_277, %dma_wait3A_326] : memref<16x2048x2048xf32, #tpu.memory_space<hbm>> -> memref<1x128x2048xf32, #tpu.memory_space<hbm>>
    %dma_wait3A_328 = tpu.memref_squeeze %dma_wait3A_327 : memref<1x128x2048xf32, #tpu.memory_space<hbm>> -> memref<128x2048xf32, #tpu.memory_space<hbm>>
    %dma_wait3A_329 = arith.constant 0 : i32
    %dma_wait3A_330 = tpu.memref_slice %arg4[%dma_wait3A_329, %multiple_of3A_274] : memref<128x3968xf32, #tpu.memory_space<vmem_shared>> -> memref<128x2048xf32, #tpu.memory_space<vmem_shared>>
    tpu.wait_dma2 semaphore(%arg8 : memref<!tpu.dma_semaphore, #tpu.memory_space<semaphore_mem>>) src(%dma_wait3A_330 : memref<128x2048xf32, #tpu.memory_space<vmem_shared>>) dst(%dma_wait3A_328 : memref<128x2048xf32, #tpu.memory_space<hbm>>)
    %dma_wait3A_331 = arith.constant 0 : i32
    %dma_wait3A_332 = tpu.memref_slice %arg3[%add3A_312, %multiple_of3A_320, %dma_wait3A_331] : memref<16x2048x2048xf32, #tpu.memory_space<hbm>> -> memref<1x128x2048xf32, #tpu.memory_space<hbm>>
    %dma_wait3A_333 = tpu.memref_squeeze %dma_wait3A_332 : memref<1x128x2048xf32, #tpu.memory_space<hbm>> -> memref<128x2048xf32, #tpu.memory_space<hbm>>
    %dma_wait3A_334 = arith.constant 0 : i32
    %dma_wait3A_335 = tpu.memref_slice %arg5[%dma_wait3A_334, %multiple_of3A_317] : memref<128x3968xf32, #tpu.memory_space<vmem_shared>> -> memref<128x2048xf32, #tpu.memory_space<vmem_shared>>
    tpu.wait_dma2 semaphore(%arg9 : memref<!tpu.dma_semaphore, #tpu.memory_space<semaphore_mem>>) src(%dma_wait3A_335 : memref<128x2048xf32, #tpu.memory_space<vmem_shared>>) dst(%dma_wait3A_333 : memref<128x2048xf32, #tpu.memory_space<hbm>>)
    return
  }
}

module attributes {stable_mosaic.version = 14 : i64} {
  func.func @_diag_kernel(%arg0: i32, %arg1: memref<1xi32, #tpu.memory_space<smem>>, %arg2: memref<32x16xf32, #tpu.memory_space<smem>>, %arg3: memref<1x16x8x3968xf32, #tpu.memory_space<vmem>>) attributes {dimension_semantics = [#tpu.dimension_semantics<arbitrary>], iteration_bounds = array<i64: 16>, scalar_prefetch = 0 : i64, scratch_operands = 0 : i64, tpu.core_type = #tpu.core_type<tc>, window_params = [{transform_indices = @transform_0, window_bounds = array<i64: 1>}, {transform_indices = @transform_1, window_bounds = array<i64: 32, 16>}, {transform_indices = @transform_2, window_bounds = array<i64: 1, 16, 8, 3968>}]} {
    %iota3A = tpu.iota {dimensions = array<i32: 0>} : vector<8x4096xi32>
    %iota3A_0 = tpu.iota {dimensions = array<i32: 1>} : vector<8x4096xi32>
    %add3A = arith.constant 7 : i32
    %add3A_1 = vector.broadcast %add3A : i32 to vector<8x4096xi32>
    %add3A_2 = arith.addi %iota3A_0, %add3A_1 : vector<8x4096xi32>
    %sub3A = arith.subi %add3A_2, %iota3A : vector<8x4096xi32>
    %sub3A_3 = arith.constant 2047 : i32
    %sub3A_4 = vector.broadcast %sub3A_3 : i32 to vector<8x4096xi32>
    %sub3A_5 = arith.subi %sub3A, %sub3A_4 : vector<8x4096xi32>
    %get3A = arith.constant 0 : index
    %get3A_6 = memref.load %arg1[%get3A] : memref<1xi32, #tpu.memory_space<smem>>
    %add3A_7 = vector.broadcast %get3A_6 : i32 to vector<8x4096xi32>
    %add3A_8 = arith.addi %sub3A_5, %add3A_7 : vector<8x4096xi32>
    %gt3A = arith.constant 0 : i32
    %gt3A_9 = vector.broadcast %gt3A : i32 to vector<8x4096xi32>
    %gt3A_10 = arith.cmpi sgt, %add3A_8, %gt3A_9 : vector<8x4096xi32>
    %jit3A = arith.constant 16 : i32
    %jit3A_11 = arith.constant 0 : i32
    %broadcast_in_dim3A = vector.broadcast %jit3A : i32 to vector<8x4096xi32>
    %broadcast_in_dim3A_12 = vector.broadcast %jit3A_11 : i32 to vector<8x4096xi32>
    %select_n3A = arith.select %gt3A_10, %broadcast_in_dim3A, %broadcast_in_dim3A_12 : vector<8x4096xi1>, vector<8x4096xi32>
    %abs3A = math.absi %add3A_8 : vector<8x4096xi32>
    %lt3A = arith.constant 8 : i32
    %lt3A_13 = vector.broadcast %lt3A : i32 to vector<8x4096xi32>
    %lt3A_14 = arith.cmpi slt, %abs3A, %lt3A_13 : vector<8x4096xi32>
    %convert_element_type3A = arith.sitofp %abs3A : vector<8x4096xi32> to vector<8x4096xf32>
    %div3A = arith.constant 8.000000e+00 : f32
    %div3A_15 = vector.broadcast %div3A : f32 to vector<8x4096xf32>
    %div3A_16 = arith.divf %convert_element_type3A, %div3A_15 : vector<8x4096xf32>
    %log3A = math.log %div3A_16 : vector<8x4096xf32>
    %div3A_17 = arith.constant 2.77258873 : f32
    %div3A_18 = vector.broadcast %div3A_17 : f32 to vector<8x4096xf32>
    %div3A_19 = arith.divf %log3A, %div3A_18 : vector<8x4096xf32>
    %mul3A = arith.constant 8.000000e+00 : f32
    %mul3A_20 = vector.broadcast %mul3A : f32 to vector<8x4096xf32>
    %mul3A_21 = arith.mulf %div3A_19, %mul3A_20 : vector<8x4096xf32>
    %convert_element_type3A_22 = arith.fptosi %mul3A_21 : vector<8x4096xf32> to vector<8x4096xi32>
    %add3A_23 = arith.constant 8 : i32
    %add3A_24 = vector.broadcast %add3A_23 : i32 to vector<8x4096xi32>
    %add3A_25 = arith.addi %add3A_24, %convert_element_type3A_22 : vector<8x4096xi32>
    %min3A = arith.constant 15 : i32
    %min3A_26 = vector.broadcast %min3A : i32 to vector<8x4096xi32>
    %min3A_27 = arith.minsi %add3A_25, %min3A_26 : vector<8x4096xi32>
    %select_n3A_28 = arith.select %lt3A_14, %abs3A, %min3A_27 : vector<8x4096xi1>, vector<8x4096xi32>
    %add3A_29 = arith.addi %select_n3A, %select_n3A_28 : vector<8x4096xi32>
    %broadcast_in_dim3A_30 = arith.constant 0.000000e+00 : f32
    %broadcast_in_dim3A_31 = vector.broadcast %broadcast_in_dim3A_30 : f32 to vector<8x4096xf32>
    %eq3A = arith.constant 0 : i32
    %eq3A_32 = vector.broadcast %eq3A : i32 to vector<8x4096xi32>
    %eq3A_33 = arith.cmpi eq, %add3A_29, %eq3A_32 : vector<8x4096xi32>
    %get3A_34 = arith.constant 0 : index
    %get3A_35 = arith.index_cast %arg0 : i32 to index
    %get3A_36 = memref.load %arg2[%get3A_34, %get3A_35] : memref<32x16xf32, #tpu.memory_space<smem>>
    %broadcast_in_dim3A_37 = vector.broadcast %get3A_36 : f32 to vector<8x4096xf32>
    %select_n3A_38 = arith.select %eq3A_33, %broadcast_in_dim3A_37, %broadcast_in_dim3A_31 : vector<8x4096xi1>, vector<8x4096xf32>
    %eq3A_39 = arith.constant 1 : i32
    %eq3A_40 = vector.broadcast %eq3A_39 : i32 to vector<8x4096xi32>
    %eq3A_41 = arith.cmpi eq, %add3A_29, %eq3A_40 : vector<8x4096xi32>
    %get3A_42 = arith.constant 1 : index
    %get3A_43 = arith.index_cast %arg0 : i32 to index
    %get3A_44 = memref.load %arg2[%get3A_42, %get3A_43] : memref<32x16xf32, #tpu.memory_space<smem>>
    %broadcast_in_dim3A_45 = vector.broadcast %get3A_44 : f32 to vector<8x4096xf32>
    %select_n3A_46 = arith.select %eq3A_41, %broadcast_in_dim3A_45, %select_n3A_38 : vector<8x4096xi1>, vector<8x4096xf32>
    %eq3A_47 = arith.constant 2 : i32
    %eq3A_48 = vector.broadcast %eq3A_47 : i32 to vector<8x4096xi32>
    %eq3A_49 = arith.cmpi eq, %add3A_29, %eq3A_48 : vector<8x4096xi32>
    %get3A_50 = arith.constant 2 : index
    %get3A_51 = arith.index_cast %arg0 : i32 to index
    %get3A_52 = memref.load %arg2[%get3A_50, %get3A_51] : memref<32x16xf32, #tpu.memory_space<smem>>
    %broadcast_in_dim3A_53 = vector.broadcast %get3A_52 : f32 to vector<8x4096xf32>
    %select_n3A_54 = arith.select %eq3A_49, %broadcast_in_dim3A_53, %select_n3A_46 : vector<8x4096xi1>, vector<8x4096xf32>
    %eq3A_55 = arith.constant 3 : i32
    %eq3A_56 = vector.broadcast %eq3A_55 : i32 to vector<8x4096xi32>
    %eq3A_57 = arith.cmpi eq, %add3A_29, %eq3A_56 : vector<8x4096xi32>
    %get3A_58 = arith.constant 3 : index
    %get3A_59 = arith.index_cast %arg0 : i32 to index
    %get3A_60 = memref.load %arg2[%get3A_58, %get3A_59] : memref<32x16xf32, #tpu.memory_space<smem>>
    %broadcast_in_dim3A_61 = vector.broadcast %get3A_60 : f32 to vector<8x4096xf32>
    %select_n3A_62 = arith.select %eq3A_57, %broadcast_in_dim3A_61, %select_n3A_54 : vector<8x4096xi1>, vector<8x4096xf32>
    %eq3A_63 = arith.constant 4 : i32
    %eq3A_64 = vector.broadcast %eq3A_63 : i32 to vector<8x4096xi32>
    %eq3A_65 = arith.cmpi eq, %add3A_29, %eq3A_64 : vector<8x4096xi32>
    %get3A_66 = arith.constant 4 : index
    %get3A_67 = arith.index_cast %arg0 : i32 to index
    %get3A_68 = memref.load %arg2[%get3A_66, %get3A_67] : memref<32x16xf32, #tpu.memory_space<smem>>
    %broadcast_in_dim3A_69 = vector.broadcast %get3A_68 : f32 to vector<8x4096xf32>
    %select_n3A_70 = arith.select %eq3A_65, %broadcast_in_dim3A_69, %select_n3A_62 : vector<8x4096xi1>, vector<8x4096xf32>
    %eq3A_71 = arith.constant 5 : i32
    %eq3A_72 = vector.broadcast %eq3A_71 : i32 to vector<8x4096xi32>
    %eq3A_73 = arith.cmpi eq, %add3A_29, %eq3A_72 : vector<8x4096xi32>
    %get3A_74 = arith.constant 5 : index
    %get3A_75 = arith.index_cast %arg0 : i32 to index
    %get3A_76 = memref.load %arg2[%get3A_74, %get3A_75] : memref<32x16xf32, #tpu.memory_space<smem>>
    %broadcast_in_dim3A_77 = vector.broadcast %get3A_76 : f32 to vector<8x4096xf32>
    %select_n3A_78 = arith.select %eq3A_73, %broadcast_in_dim3A_77, %select_n3A_70 : vector<8x4096xi1>, vector<8x4096xf32>
    %eq3A_79 = arith.constant 6 : i32
    %eq3A_80 = vector.broadcast %eq3A_79 : i32 to vector<8x4096xi32>
    %eq3A_81 = arith.cmpi eq, %add3A_29, %eq3A_80 : vector<8x4096xi32>
    %get3A_82 = arith.constant 6 : index
    %get3A_83 = arith.index_cast %arg0 : i32 to index
    %get3A_84 = memref.load %arg2[%get3A_82, %get3A_83] : memref<32x16xf32, #tpu.memory_space<smem>>
    %broadcast_in_dim3A_85 = vector.broadcast %get3A_84 : f32 to vector<8x4096xf32>
    %select_n3A_86 = arith.select %eq3A_81, %broadcast_in_dim3A_85, %select_n3A_78 : vector<8x4096xi1>, vector<8x4096xf32>
    %eq3A_87 = arith.constant 7 : i32
    %eq3A_88 = vector.broadcast %eq3A_87 : i32 to vector<8x4096xi32>
    %eq3A_89 = arith.cmpi eq, %add3A_29, %eq3A_88 : vector<8x4096xi32>
    %get3A_90 = arith.constant 7 : index
    %get3A_91 = arith.index_cast %arg0 : i32 to index
    %get3A_92 = memref.load %arg2[%get3A_90, %get3A_91] : memref<32x16xf32, #tpu.memory_space<smem>>
    %broadcast_in_dim3A_93 = vector.broadcast %get3A_92 : f32 to vector<8x4096xf32>
    %select_n3A_94 = arith.select %eq3A_89, %broadcast_in_dim3A_93, %select_n3A_86 : vector<8x4096xi1>, vector<8x4096xf32>
    %eq3A_95 = arith.constant 8 : i32
    %eq3A_96 = vector.broadcast %eq3A_95 : i32 to vector<8x4096xi32>
    %eq3A_97 = arith.cmpi eq, %add3A_29, %eq3A_96 : vector<8x4096xi32>
    %get3A_98 = arith.constant 8 : index
    %get3A_99 = arith.index_cast %arg0 : i32 to index
    %get3A_100 = memref.load %arg2[%get3A_98, %get3A_99] : memref<32x16xf32, #tpu.memory_space<smem>>
    %broadcast_in_dim3A_101 = vector.broadcast %get3A_100 : f32 to vector<8x4096xf32>
    %select_n3A_102 = arith.select %eq3A_97, %broadcast_in_dim3A_101, %select_n3A_94 : vector<8x4096xi1>, vector<8x4096xf32>
    %eq3A_103 = arith.constant 9 : i32
    %eq3A_104 = vector.broadcast %eq3A_103 : i32 to vector<8x4096xi32>
    %eq3A_105 = arith.cmpi eq, %add3A_29, %eq3A_104 : vector<8x4096xi32>
    %get3A_106 = arith.constant 9 : index
    %get3A_107 = arith.index_cast %arg0 : i32 to index
    %get3A_108 = memref.load %arg2[%get3A_106, %get3A_107] : memref<32x16xf32, #tpu.memory_space<smem>>
    %broadcast_in_dim3A_109 = vector.broadcast %get3A_108 : f32 to vector<8x4096xf32>
    %select_n3A_110 = arith.select %eq3A_105, %broadcast_in_dim3A_109, %select_n3A_102 : vector<8x4096xi1>, vector<8x4096xf32>
    %eq3A_111 = arith.constant 10 : i32
    %eq3A_112 = vector.broadcast %eq3A_111 : i32 to vector<8x4096xi32>
    %eq3A_113 = arith.cmpi eq, %add3A_29, %eq3A_112 : vector<8x4096xi32>
    %get3A_114 = arith.constant 10 : index
    %get3A_115 = arith.index_cast %arg0 : i32 to index
    %get3A_116 = memref.load %arg2[%get3A_114, %get3A_115] : memref<32x16xf32, #tpu.memory_space<smem>>
    %broadcast_in_dim3A_117 = vector.broadcast %get3A_116 : f32 to vector<8x4096xf32>
    %select_n3A_118 = arith.select %eq3A_113, %broadcast_in_dim3A_117, %select_n3A_110 : vector<8x4096xi1>, vector<8x4096xf32>
    %eq3A_119 = arith.constant 11 : i32
    %eq3A_120 = vector.broadcast %eq3A_119 : i32 to vector<8x4096xi32>
    %eq3A_121 = arith.cmpi eq, %add3A_29, %eq3A_120 : vector<8x4096xi32>
    %get3A_122 = arith.constant 11 : index
    %get3A_123 = arith.index_cast %arg0 : i32 to index
    %get3A_124 = memref.load %arg2[%get3A_122, %get3A_123] : memref<32x16xf32, #tpu.memory_space<smem>>
    %broadcast_in_dim3A_125 = vector.broadcast %get3A_124 : f32 to vector<8x4096xf32>
    %select_n3A_126 = arith.select %eq3A_121, %broadcast_in_dim3A_125, %select_n3A_118 : vector<8x4096xi1>, vector<8x4096xf32>
    %eq3A_127 = arith.constant 12 : i32
    %eq3A_128 = vector.broadcast %eq3A_127 : i32 to vector<8x4096xi32>
    %eq3A_129 = arith.cmpi eq, %add3A_29, %eq3A_128 : vector<8x4096xi32>
    %get3A_130 = arith.constant 12 : index
    %get3A_131 = arith.index_cast %arg0 : i32 to index
    %get3A_132 = memref.load %arg2[%get3A_130, %get3A_131] : memref<32x16xf32, #tpu.memory_space<smem>>
    %broadcast_in_dim3A_133 = vector.broadcast %get3A_132 : f32 to vector<8x4096xf32>
    %select_n3A_134 = arith.select %eq3A_129, %broadcast_in_dim3A_133, %select_n3A_126 : vector<8x4096xi1>, vector<8x4096xf32>
    %eq3A_135 = arith.constant 13 : i32
    %eq3A_136 = vector.broadcast %eq3A_135 : i32 to vector<8x4096xi32>
    %eq3A_137 = arith.cmpi eq, %add3A_29, %eq3A_136 : vector<8x4096xi32>
    %get3A_138 = arith.constant 13 : index
    %get3A_139 = arith.index_cast %arg0 : i32 to index
    %get3A_140 = memref.load %arg2[%get3A_138, %get3A_139] : memref<32x16xf32, #tpu.memory_space<smem>>
    %broadcast_in_dim3A_141 = vector.broadcast %get3A_140 : f32 to vector<8x4096xf32>
    %select_n3A_142 = arith.select %eq3A_137, %broadcast_in_dim3A_141, %select_n3A_134 : vector<8x4096xi1>, vector<8x4096xf32>
    %eq3A_143 = arith.constant 14 : i32
    %eq3A_144 = vector.broadcast %eq3A_143 : i32 to vector<8x4096xi32>
    %eq3A_145 = arith.cmpi eq, %add3A_29, %eq3A_144 : vector<8x4096xi32>
    %get3A_146 = arith.constant 14 : index
    %get3A_147 = arith.index_cast %arg0 : i32 to index
    %get3A_148 = memref.load %arg2[%get3A_146, %get3A_147] : memref<32x16xf32, #tpu.memory_space<smem>>
    %broadcast_in_dim3A_149 = vector.broadcast %get3A_148 : f32 to vector<8x4096xf32>
    %select_n3A_150 = arith.select %eq3A_145, %broadcast_in_dim3A_149, %select_n3A_142 : vector<8x4096xi1>, vector<8x4096xf32>
    %eq3A_151 = arith.constant 15 : i32
    %eq3A_152 = vector.broadcast %eq3A_151 : i32 to vector<8x4096xi32>
    %eq3A_153 = arith.cmpi eq, %add3A_29, %eq3A_152 : vector<8x4096xi32>
    %get3A_154 = arith.constant 15 : index
    %get3A_155 = arith.index_cast %arg0 : i32 to index
    %get3A_156 = memref.load %arg2[%get3A_154, %get3A_155] : memref<32x16xf32, #tpu.memory_space<smem>>
    %broadcast_in_dim3A_157 = vector.broadcast %get3A_156 : f32 to vector<8x4096xf32>
    %select_n3A_158 = arith.select %eq3A_153, %broadcast_in_dim3A_157, %select_n3A_150 : vector<8x4096xi1>, vector<8x4096xf32>
    %eq3A_159 = arith.constant 16 : i32
    %eq3A_160 = vector.broadcast %eq3A_159 : i32 to vector<8x4096xi32>
    %eq3A_161 = arith.cmpi eq, %add3A_29, %eq3A_160 : vector<8x4096xi32>
    %get3A_162 = arith.constant 16 : index
    %get3A_163 = arith.index_cast %arg0 : i32 to index
    %get3A_164 = memref.load %arg2[%get3A_162, %get3A_163] : memref<32x16xf32, #tpu.memory_space<smem>>
    %broadcast_in_dim3A_165 = vector.broadcast %get3A_164 : f32 to vector<8x4096xf32>
    %select_n3A_166 = arith.select %eq3A_161, %broadcast_in_dim3A_165, %select_n3A_158 : vector<8x4096xi1>, vector<8x4096xf32>
    %eq3A_167 = arith.constant 17 : i32
    %eq3A_168 = vector.broadcast %eq3A_167 : i32 to vector<8x4096xi32>
    %eq3A_169 = arith.cmpi eq, %add3A_29, %eq3A_168 : vector<8x4096xi32>
    %get3A_170 = arith.constant 17 : index
    %get3A_171 = arith.index_cast %arg0 : i32 to index
    %get3A_172 = memref.load %arg2[%get3A_170, %get3A_171] : memref<32x16xf32, #tpu.memory_space<smem>>
    %broadcast_in_dim3A_173 = vector.broadcast %get3A_172 : f32 to vector<8x4096xf32>
    %select_n3A_174 = arith.select %eq3A_169, %broadcast_in_dim3A_173, %select_n3A_166 : vector<8x4096xi1>, vector<8x4096xf32>
    %eq3A_175 = arith.constant 18 : i32
    %eq3A_176 = vector.broadcast %eq3A_175 : i32 to vector<8x4096xi32>
    %eq3A_177 = arith.cmpi eq, %add3A_29, %eq3A_176 : vector<8x4096xi32>
    %get3A_178 = arith.constant 18 : index
    %get3A_179 = arith.index_cast %arg0 : i32 to index
    %get3A_180 = memref.load %arg2[%get3A_178, %get3A_179] : memref<32x16xf32, #tpu.memory_space<smem>>
    %broadcast_in_dim3A_181 = vector.broadcast %get3A_180 : f32 to vector<8x4096xf32>
    %select_n3A_182 = arith.select %eq3A_177, %broadcast_in_dim3A_181, %select_n3A_174 : vector<8x4096xi1>, vector<8x4096xf32>
    %eq3A_183 = arith.constant 19 : i32
    %eq3A_184 = vector.broadcast %eq3A_183 : i32 to vector<8x4096xi32>
    %eq3A_185 = arith.cmpi eq, %add3A_29, %eq3A_184 : vector<8x4096xi32>
    %get3A_186 = arith.constant 19 : index
    %get3A_187 = arith.index_cast %arg0 : i32 to index
    %get3A_188 = memref.load %arg2[%get3A_186, %get3A_187] : memref<32x16xf32, #tpu.memory_space<smem>>
    %broadcast_in_dim3A_189 = vector.broadcast %get3A_188 : f32 to vector<8x4096xf32>
    %select_n3A_190 = arith.select %eq3A_185, %broadcast_in_dim3A_189, %select_n3A_182 : vector<8x4096xi1>, vector<8x4096xf32>
    %eq3A_191 = arith.constant 20 : i32
    %eq3A_192 = vector.broadcast %eq3A_191 : i32 to vector<8x4096xi32>
    %eq3A_193 = arith.cmpi eq, %add3A_29, %eq3A_192 : vector<8x4096xi32>
    %get3A_194 = arith.constant 20 : index
    %get3A_195 = arith.index_cast %arg0 : i32 to index
    %get3A_196 = memref.load %arg2[%get3A_194, %get3A_195] : memref<32x16xf32, #tpu.memory_space<smem>>
    %broadcast_in_dim3A_197 = vector.broadcast %get3A_196 : f32 to vector<8x4096xf32>
    %select_n3A_198 = arith.select %eq3A_193, %broadcast_in_dim3A_197, %select_n3A_190 : vector<8x4096xi1>, vector<8x4096xf32>
    %eq3A_199 = arith.constant 21 : i32
    %eq3A_200 = vector.broadcast %eq3A_199 : i32 to vector<8x4096xi32>
    %eq3A_201 = arith.cmpi eq, %add3A_29, %eq3A_200 : vector<8x4096xi32>
    %get3A_202 = arith.constant 21 : index
    %get3A_203 = arith.index_cast %arg0 : i32 to index
    %get3A_204 = memref.load %arg2[%get3A_202, %get3A_203] : memref<32x16xf32, #tpu.memory_space<smem>>
    %broadcast_in_dim3A_205 = vector.broadcast %get3A_204 : f32 to vector<8x4096xf32>
    %select_n3A_206 = arith.select %eq3A_201, %broadcast_in_dim3A_205, %select_n3A_198 : vector<8x4096xi1>, vector<8x4096xf32>
    %eq3A_207 = arith.constant 22 : i32
    %eq3A_208 = vector.broadcast %eq3A_207 : i32 to vector<8x4096xi32>
    %eq3A_209 = arith.cmpi eq, %add3A_29, %eq3A_208 : vector<8x4096xi32>
    %get3A_210 = arith.constant 22 : index
    %get3A_211 = arith.index_cast %arg0 : i32 to index
    %get3A_212 = memref.load %arg2[%get3A_210, %get3A_211] : memref<32x16xf32, #tpu.memory_space<smem>>
    %broadcast_in_dim3A_213 = vector.broadcast %get3A_212 : f32 to vector<8x4096xf32>
    %select_n3A_214 = arith.select %eq3A_209, %broadcast_in_dim3A_213, %select_n3A_206 : vector<8x4096xi1>, vector<8x4096xf32>
    %eq3A_215 = arith.constant 23 : i32
    %eq3A_216 = vector.broadcast %eq3A_215 : i32 to vector<8x4096xi32>
    %eq3A_217 = arith.cmpi eq, %add3A_29, %eq3A_216 : vector<8x4096xi32>
    %get3A_218 = arith.constant 23 : index
    %get3A_219 = arith.index_cast %arg0 : i32 to index
    %get3A_220 = memref.load %arg2[%get3A_218, %get3A_219] : memref<32x16xf32, #tpu.memory_space<smem>>
    %broadcast_in_dim3A_221 = vector.broadcast %get3A_220 : f32 to vector<8x4096xf32>
    %select_n3A_222 = arith.select %eq3A_217, %broadcast_in_dim3A_221, %select_n3A_214 : vector<8x4096xi1>, vector<8x4096xf32>
    %eq3A_223 = arith.constant 24 : i32
    %eq3A_224 = vector.broadcast %eq3A_223 : i32 to vector<8x4096xi32>
    %eq3A_225 = arith.cmpi eq, %add3A_29, %eq3A_224 : vector<8x4096xi32>
    %get3A_226 = arith.constant 24 : index
    %get3A_227 = arith.index_cast %arg0 : i32 to index
    %get3A_228 = memref.load %arg2[%get3A_226, %get3A_227] : memref<32x16xf32, #tpu.memory_space<smem>>
    %broadcast_in_dim3A_229 = vector.broadcast %get3A_228 : f32 to vector<8x4096xf32>
    %select_n3A_230 = arith.select %eq3A_225, %broadcast_in_dim3A_229, %select_n3A_222 : vector<8x4096xi1>, vector<8x4096xf32>
    %eq3A_231 = arith.constant 25 : i32
    %eq3A_232 = vector.broadcast %eq3A_231 : i32 to vector<8x4096xi32>
    %eq3A_233 = arith.cmpi eq, %add3A_29, %eq3A_232 : vector<8x4096xi32>
    %get3A_234 = arith.constant 25 : index
    %get3A_235 = arith.index_cast %arg0 : i32 to index
    %get3A_236 = memref.load %arg2[%get3A_234, %get3A_235] : memref<32x16xf32, #tpu.memory_space<smem>>
    %broadcast_in_dim3A_237 = vector.broadcast %get3A_236 : f32 to vector<8x4096xf32>
    %select_n3A_238 = arith.select %eq3A_233, %broadcast_in_dim3A_237, %select_n3A_230 : vector<8x4096xi1>, vector<8x4096xf32>
    %eq3A_239 = arith.constant 26 : i32
    %eq3A_240 = vector.broadcast %eq3A_239 : i32 to vector<8x4096xi32>
    %eq3A_241 = arith.cmpi eq, %add3A_29, %eq3A_240 : vector<8x4096xi32>
    %get3A_242 = arith.constant 26 : index
    %get3A_243 = arith.index_cast %arg0 : i32 to index
    %get3A_244 = memref.load %arg2[%get3A_242, %get3A_243] : memref<32x16xf32, #tpu.memory_space<smem>>
    %broadcast_in_dim3A_245 = vector.broadcast %get3A_244 : f32 to vector<8x4096xf32>
    %select_n3A_246 = arith.select %eq3A_241, %broadcast_in_dim3A_245, %select_n3A_238 : vector<8x4096xi1>, vector<8x4096xf32>
    %eq3A_247 = arith.constant 27 : i32
    %eq3A_248 = vector.broadcast %eq3A_247 : i32 to vector<8x4096xi32>
    %eq3A_249 = arith.cmpi eq, %add3A_29, %eq3A_248 : vector<8x4096xi32>
    %get3A_250 = arith.constant 27 : index
    %get3A_251 = arith.index_cast %arg0 : i32 to index
    %get3A_252 = memref.load %arg2[%get3A_250, %get3A_251] : memref<32x16xf32, #tpu.memory_space<smem>>
    %broadcast_in_dim3A_253 = vector.broadcast %get3A_252 : f32 to vector<8x4096xf32>
    %select_n3A_254 = arith.select %eq3A_249, %broadcast_in_dim3A_253, %select_n3A_246 : vector<8x4096xi1>, vector<8x4096xf32>
    %eq3A_255 = arith.constant 28 : i32
    %eq3A_256 = vector.broadcast %eq3A_255 : i32 to vector<8x4096xi32>
    %eq3A_257 = arith.cmpi eq, %add3A_29, %eq3A_256 : vector<8x4096xi32>
    %get3A_258 = arith.constant 28 : index
    %get3A_259 = arith.index_cast %arg0 : i32 to index
    %get3A_260 = memref.load %arg2[%get3A_258, %get3A_259] : memref<32x16xf32, #tpu.memory_space<smem>>
    %broadcast_in_dim3A_261 = vector.broadcast %get3A_260 : f32 to vector<8x4096xf32>
    %select_n3A_262 = arith.select %eq3A_257, %broadcast_in_dim3A_261, %select_n3A_254 : vector<8x4096xi1>, vector<8x4096xf32>
    %eq3A_263 = arith.constant 29 : i32
    %eq3A_264 = vector.broadcast %eq3A_263 : i32 to vector<8x4096xi32>
    %eq3A_265 = arith.cmpi eq, %add3A_29, %eq3A_264 : vector<8x4096xi32>
    %get3A_266 = arith.constant 29 : index
    %get3A_267 = arith.index_cast %arg0 : i32 to index
    %get3A_268 = memref.load %arg2[%get3A_266, %get3A_267] : memref<32x16xf32, #tpu.memory_space<smem>>
    %broadcast_in_dim3A_269 = vector.broadcast %get3A_268 : f32 to vector<8x4096xf32>
    %select_n3A_270 = arith.select %eq3A_265, %broadcast_in_dim3A_269, %select_n3A_262 : vector<8x4096xi1>, vector<8x4096xf32>
    %eq3A_271 = arith.constant 30 : i32
    %eq3A_272 = vector.broadcast %eq3A_271 : i32 to vector<8x4096xi32>
    %eq3A_273 = arith.cmpi eq, %add3A_29, %eq3A_272 : vector<8x4096xi32>
    %get3A_274 = arith.constant 30 : index
    %get3A_275 = arith.index_cast %arg0 : i32 to index
    %get3A_276 = memref.load %arg2[%get3A_274, %get3A_275] : memref<32x16xf32, #tpu.memory_space<smem>>
    %broadcast_in_dim3A_277 = vector.broadcast %get3A_276 : f32 to vector<8x4096xf32>
    %select_n3A_278 = arith.select %eq3A_273, %broadcast_in_dim3A_277, %select_n3A_270 : vector<8x4096xi1>, vector<8x4096xf32>
    %eq3A_279 = arith.constant 31 : i32
    %eq3A_280 = vector.broadcast %eq3A_279 : i32 to vector<8x4096xi32>
    %eq3A_281 = arith.cmpi eq, %add3A_29, %eq3A_280 : vector<8x4096xi32>
    %get3A_282 = arith.constant 31 : index
    %get3A_283 = arith.index_cast %arg0 : i32 to index
    %get3A_284 = memref.load %arg2[%get3A_282, %get3A_283] : memref<32x16xf32, #tpu.memory_space<smem>>
    %broadcast_in_dim3A_285 = vector.broadcast %get3A_284 : f32 to vector<8x4096xf32>
    %select_n3A_286 = arith.select %eq3A_281, %broadcast_in_dim3A_285, %select_n3A_278 : vector<8x4096xi1>, vector<8x4096xf32>
    %slice3A = vector.extract_strided_slice %select_n3A_286 {offsets = [0, 120], sizes = [8, 3968], strides = [1, 1]} : vector<8x4096xf32> to vector<8x3968xf32>
    %swap3A = arith.constant 0 : index
    %swap3A_287 = arith.constant 0 : index
    %swap3A_288 = arith.constant 0 : index
    %swap3A_289 = arith.constant 0 : index
    %swap3A_290 = vector.load %arg3[%swap3A, %swap3A_287, %swap3A_288, %swap3A_289] : memref<1x16x8x3968xf32, #tpu.memory_space<vmem>>, vector<1x1x8x3968xf32>
    %swap3A_291 = vector.shape_cast %swap3A_290 : vector<1x1x8x3968xf32> to vector<8x3968xf32>
    %swap3A_292 = vector.shape_cast %slice3A : vector<8x3968xf32> to vector<1x1x8x3968xf32>
    tpu.vector_store %arg3[%swap3A, %swap3A_287, %swap3A_288, %swap3A_289], %swap3A_292 {strides = array<i32>} : memref<1x16x8x3968xf32, #tpu.memory_space<vmem>>, vector<1x1x8x3968xf32>,
    %slice3A_293 = vector.extract_strided_slice %select_n3A_286 {offsets = [0, 112], sizes = [8, 3968], strides = [1, 1]} : vector<8x4096xf32> to vector<8x3968xf32>
    %swap3A_294 = arith.constant 0 : index
    %swap3A_295 = arith.constant 1 : index
    %swap3A_296 = arith.constant 0 : index
    %swap3A_297 = arith.constant 0 : index
    %swap3A_298 = vector.load %arg3[%swap3A_294, %swap3A_295, %swap3A_296, %swap3A_297] : memref<1x16x8x3968xf32, #tpu.memory_space<vmem>>, vector<1x1x8x3968xf32>
    %swap3A_299 = vector.shape_cast %swap3A_298 : vector<1x1x8x3968xf32> to vector<8x3968xf32>
    %swap3A_300 = vector.shape_cast %slice3A_293 : vector<8x3968xf32> to vector<1x1x8x3968xf32>
    tpu.vector_store %arg3[%swap3A_294, %swap3A_295, %swap3A_296, %swap3A_297], %swap3A_300 {strides = array<i32>} : memref<1x16x8x3968xf32, #tpu.memory_space<vmem>>, vector<1x1x8x3968xf32>,
    %slice3A_301 = vector.extract_strided_slice %select_n3A_286 {offsets = [0, 104], sizes = [8, 3968], strides = [1, 1]} : vector<8x4096xf32> to vector<8x3968xf32>
    %swap3A_302 = arith.constant 0 : index
    %swap3A_303 = arith.constant 2 : index
    %swap3A_304 = arith.constant 0 : index
    %swap3A_305 = arith.constant 0 : index
    %swap3A_306 = vector.load %arg3[%swap3A_302, %swap3A_303, %swap3A_304, %swap3A_305] : memref<1x16x8x3968xf32, #tpu.memory_space<vmem>>, vector<1x1x8x3968xf32>
    %swap3A_307 = vector.shape_cast %swap3A_306 : vector<1x1x8x3968xf32> to vector<8x3968xf32>
    %swap3A_308 = vector.shape_cast %slice3A_301 : vector<8x3968xf32> to vector<1x1x8x3968xf32>
    tpu.vector_store %arg3[%swap3A_302, %swap3A_303, %swap3A_304, %swap3A_305], %swap3A_308 {strides = array<i32>} : memref<1x16x8x3968xf32, #tpu.memory_space<vmem>>, vector<1x1x8x3968xf32>,
    %slice3A_309 = vector.extract_strided_slice %select_n3A_286 {offsets = [0, 96], sizes = [8, 3968], strides = [1, 1]} : vector<8x4096xf32> to vector<8x3968xf32>
    %swap3A_310 = arith.constant 0 : index
    %swap3A_311 = arith.constant 3 : index
    %swap3A_312 = arith.constant 0 : index
    %swap3A_313 = arith.constant 0 : index
    %swap3A_314 = vector.load %arg3[%swap3A_310, %swap3A_311, %swap3A_312, %swap3A_313] : memref<1x16x8x3968xf32, #tpu.memory_space<vmem>>, vector<1x1x8x3968xf32>
    %swap3A_315 = vector.shape_cast %swap3A_314 : vector<1x1x8x3968xf32> to vector<8x3968xf32>
    %swap3A_316 = vector.shape_cast %slice3A_309 : vector<8x3968xf32> to vector<1x1x8x3968xf32>
    tpu.vector_store %arg3[%swap3A_310, %swap3A_311, %swap3A_312, %swap3A_313], %swap3A_316 {strides = array<i32>} : memref<1x16x8x3968xf32, #tpu.memory_space<vmem>>, vector<1x1x8x3968xf32>,
    %slice3A_317 = vector.extract_strided_slice %select_n3A_286 {offsets = [0, 88], sizes = [8, 3968], strides = [1, 1]} : vector<8x4096xf32> to vector<8x3968xf32>
    %swap3A_318 = arith.constant 0 : index
    %swap3A_319 = arith.constant 4 : index
    %swap3A_320 = arith.constant 0 : index
    %swap3A_321 = arith.constant 0 : index
    %swap3A_322 = vector.load %arg3[%swap3A_318, %swap3A_319, %swap3A_320, %swap3A_321] : memref<1x16x8x3968xf32, #tpu.memory_space<vmem>>, vector<1x1x8x3968xf32>
    %swap3A_323 = vector.shape_cast %swap3A_322 : vector<1x1x8x3968xf32> to vector<8x3968xf32>
    %swap3A_324 = vector.shape_cast %slice3A_317 : vector<8x3968xf32> to vector<1x1x8x3968xf32>
    tpu.vector_store %arg3[%swap3A_318, %swap3A_319, %swap3A_320, %swap3A_321], %swap3A_324 {strides = array<i32>} : memref<1x16x8x3968xf32, #tpu.memory_space<vmem>>, vector<1x1x8x3968xf32>,
    %slice3A_325 = vector.extract_strided_slice %select_n3A_286 {offsets = [0, 80], sizes = [8, 3968], strides = [1, 1]} : vector<8x4096xf32> to vector<8x3968xf32>
    %swap3A_326 = arith.constant 0 : index
    %swap3A_327 = arith.constant 5 : index
    %swap3A_328 = arith.constant 0 : index
    %swap3A_329 = arith.constant 0 : index
    %swap3A_330 = vector.load %arg3[%swap3A_326, %swap3A_327, %swap3A_328, %swap3A_329] : memref<1x16x8x3968xf32, #tpu.memory_space<vmem>>, vector<1x1x8x3968xf32>
    %swap3A_331 = vector.shape_cast %swap3A_330 : vector<1x1x8x3968xf32> to vector<8x3968xf32>
    %swap3A_332 = vector.shape_cast %slice3A_325 : vector<8x3968xf32> to vector<1x1x8x3968xf32>
    tpu.vector_store %arg3[%swap3A_326, %swap3A_327, %swap3A_328, %swap3A_329], %swap3A_332 {strides = array<i32>} : memref<1x16x8x3968xf32, #tpu.memory_space<vmem>>, vector<1x1x8x3968xf32>,
    %slice3A_333 = vector.extract_strided_slice %select_n3A_286 {offsets = [0, 72], sizes = [8, 3968], strides = [1, 1]} : vector<8x4096xf32> to vector<8x3968xf32>
    %swap3A_334 = arith.constant 0 : index
    %swap3A_335 = arith.constant 6 : index
    %swap3A_336 = arith.constant 0 : index
    %swap3A_337 = arith.constant 0 : index
    %swap3A_338 = vector.load %arg3[%swap3A_334, %swap3A_335, %swap3A_336, %swap3A_337] : memref<1x16x8x3968xf32, #tpu.memory_space<vmem>>, vector<1x1x8x3968xf32>
    %swap3A_339 = vector.shape_cast %swap3A_338 : vector<1x1x8x3968xf32> to vector<8x3968xf32>
    %swap3A_340 = vector.shape_cast %slice3A_333 : vector<8x3968xf32> to vector<1x1x8x3968xf32>
    tpu.vector_store %arg3[%swap3A_334, %swap3A_335, %swap3A_336, %swap3A_337], %swap3A_340 {strides = array<i32>} : memref<1x16x8x3968xf32, #tpu.memory_space<vmem>>, vector<1x1x8x3968xf32>,
    %slice3A_341 = vector.extract_strided_slice %select_n3A_286 {offsets = [0, 64], sizes = [8, 3968], strides = [1, 1]} : vector<8x4096xf32> to vector<8x3968xf32>
    %swap3A_342 = arith.constant 0 : index
    %swap3A_343 = arith.constant 7 : index
    %swap3A_344 = arith.constant 0 : index
    %swap3A_345 = arith.constant 0 : index
    %swap3A_346 = vector.load %arg3[%swap3A_342, %swap3A_343, %swap3A_344, %swap3A_345] : memref<1x16x8x3968xf32, #tpu.memory_space<vmem>>, vector<1x1x8x3968xf32>
    %swap3A_347 = vector.shape_cast %swap3A_346 : vector<1x1x8x3968xf32> to vector<8x3968xf32>
    %swap3A_348 = vector.shape_cast %slice3A_341 : vector<8x3968xf32> to vector<1x1x8x3968xf32>
    tpu.vector_store %arg3[%swap3A_342, %swap3A_343, %swap3A_344, %swap3A_345], %swap3A_348 {strides = array<i32>} : memref<1x16x8x3968xf32, #tpu.memory_space<vmem>>, vector<1x1x8x3968xf32>,
    %slice3A_349 = vector.extract_strided_slice %select_n3A_286 {offsets = [0, 56], sizes = [8, 3968], strides = [1, 1]} : vector<8x4096xf32> to vector<8x3968xf32>
    %swap3A_350 = arith.constant 0 : index
    %swap3A_351 = arith.constant 8 : index
    %swap3A_352 = arith.constant 0 : index
    %swap3A_353 = arith.constant 0 : index
    %swap3A_354 = vector.load %arg3[%swap3A_350, %swap3A_351, %swap3A_352, %swap3A_353] : memref<1x16x8x3968xf32, #tpu.memory_space<vmem>>, vector<1x1x8x3968xf32>
    %swap3A_355 = vector.shape_cast %swap3A_354 : vector<1x1x8x3968xf32> to vector<8x3968xf32>
    %swap3A_356 = vector.shape_cast %slice3A_349 : vector<8x3968xf32> to vector<1x1x8x3968xf32>
    tpu.vector_store %arg3[%swap3A_350, %swap3A_351, %swap3A_352, %swap3A_353], %swap3A_356 {strides = array<i32>} : memref<1x16x8x3968xf32, #tpu.memory_space<vmem>>, vector<1x1x8x3968xf32>,
    %slice3A_357 = vector.extract_strided_slice %select_n3A_286 {offsets = [0, 48], sizes = [8, 3968], strides = [1, 1]} : vector<8x4096xf32> to vector<8x3968xf32>
    %swap3A_358 = arith.constant 0 : index
    %swap3A_359 = arith.constant 9 : index
    %swap3A_360 = arith.constant 0 : index
    %swap3A_361 = arith.constant 0 : index
    %swap3A_362 = vector.load %arg3[%swap3A_358, %swap3A_359, %swap3A_360, %swap3A_361] : memref<1x16x8x3968xf32, #tpu.memory_space<vmem>>, vector<1x1x8x3968xf32>
    %swap3A_363 = vector.shape_cast %swap3A_362 : vector<1x1x8x3968xf32> to vector<8x3968xf32>
    %swap3A_364 = vector.shape_cast %slice3A_357 : vector<8x3968xf32> to vector<1x1x8x3968xf32>
    tpu.vector_store %arg3[%swap3A_358, %swap3A_359, %swap3A_360, %swap3A_361], %swap3A_364 {strides = array<i32>} : memref<1x16x8x3968xf32, #tpu.memory_space<vmem>>, vector<1x1x8x3968xf32>,
    %slice3A_365 = vector.extract_strided_slice %select_n3A_286 {offsets = [0, 40], sizes = [8, 3968], strides = [1, 1]} : vector<8x4096xf32> to vector<8x3968xf32>
    %swap3A_366 = arith.constant 0 : index
    %swap3A_367 = arith.constant 10 : index
    %swap3A_368 = arith.constant 0 : index
    %swap3A_369 = arith.constant 0 : index
    %swap3A_370 = vector.load %arg3[%swap3A_366, %swap3A_367, %swap3A_368, %swap3A_369] : memref<1x16x8x3968xf32, #tpu.memory_space<vmem>>, vector<1x1x8x3968xf32>
    %swap3A_371 = vector.shape_cast %swap3A_370 : vector<1x1x8x3968xf32> to vector<8x3968xf32>
    %swap3A_372 = vector.shape_cast %slice3A_365 : vector<8x3968xf32> to vector<1x1x8x3968xf32>
    tpu.vector_store %arg3[%swap3A_366, %swap3A_367, %swap3A_368, %swap3A_369], %swap3A_372 {strides = array<i32>} : memref<1x16x8x3968xf32, #tpu.memory_space<vmem>>, vector<1x1x8x3968xf32>,
    %slice3A_373 = vector.extract_strided_slice %select_n3A_286 {offsets = [0, 32], sizes = [8, 3968], strides = [1, 1]} : vector<8x4096xf32> to vector<8x3968xf32>
    %swap3A_374 = arith.constant 0 : index
    %swap3A_375 = arith.constant 11 : index
    %swap3A_376 = arith.constant 0 : index
    %swap3A_377 = arith.constant 0 : index
    %swap3A_378 = vector.load %arg3[%swap3A_374, %swap3A_375, %swap3A_376, %swap3A_377] : memref<1x16x8x3968xf32, #tpu.memory_space<vmem>>, vector<1x1x8x3968xf32>
    %swap3A_379 = vector.shape_cast %swap3A_378 : vector<1x1x8x3968xf32> to vector<8x3968xf32>
    %swap3A_380 = vector.shape_cast %slice3A_373 : vector<8x3968xf32> to vector<1x1x8x3968xf32>
    tpu.vector_store %arg3[%swap3A_374, %swap3A_375, %swap3A_376, %swap3A_377], %swap3A_380 {strides = array<i32>} : memref<1x16x8x3968xf32, #tpu.memory_space<vmem>>, vector<1x1x8x3968xf32>,
    %slice3A_381 = vector.extract_strided_slice %select_n3A_286 {offsets = [0, 24], sizes = [8, 3968], strides = [1, 1]} : vector<8x4096xf32> to vector<8x3968xf32>
    %swap3A_382 = arith.constant 0 : index
    %swap3A_383 = arith.constant 12 : index
    %swap3A_384 = arith.constant 0 : index
    %swap3A_385 = arith.constant 0 : index
    %swap3A_386 = vector.load %arg3[%swap3A_382, %swap3A_383, %swap3A_384, %swap3A_385] : memref<1x16x8x3968xf32, #tpu.memory_space<vmem>>, vector<1x1x8x3968xf32>
    %swap3A_387 = vector.shape_cast %swap3A_386 : vector<1x1x8x3968xf32> to vector<8x3968xf32>
    %swap3A_388 = vector.shape_cast %slice3A_381 : vector<8x3968xf32> to vector<1x1x8x3968xf32>
    tpu.vector_store %arg3[%swap3A_382, %swap3A_383, %swap3A_384, %swap3A_385], %swap3A_388 {strides = array<i32>} : memref<1x16x8x3968xf32, #tpu.memory_space<vmem>>, vector<1x1x8x3968xf32>,
    %slice3A_389 = vector.extract_strided_slice %select_n3A_286 {offsets = [0, 16], sizes = [8, 3968], strides = [1, 1]} : vector<8x4096xf32> to vector<8x3968xf32>
    %swap3A_390 = arith.constant 0 : index
    %swap3A_391 = arith.constant 13 : index
    %swap3A_392 = arith.constant 0 : index
    %swap3A_393 = arith.constant 0 : index
    %swap3A_394 = vector.load %arg3[%swap3A_390, %swap3A_391, %swap3A_392, %swap3A_393] : memref<1x16x8x3968xf32, #tpu.memory_space<vmem>>, vector<1x1x8x3968xf32>
    %swap3A_395 = vector.shape_cast %swap3A_394 : vector<1x1x8x3968xf32> to vector<8x3968xf32>
    %swap3A_396 = vector.shape_cast %slice3A_389 : vector<8x3968xf32> to vector<1x1x8x3968xf32>
    tpu.vector_store %arg3[%swap3A_390, %swap3A_391, %swap3A_392, %swap3A_393], %swap3A_396 {strides = array<i32>} : memref<1x16x8x3968xf32, #tpu.memory_space<vmem>>, vector<1x1x8x3968xf32>,
    %slice3A_397 = vector.extract_strided_slice %select_n3A_286 {offsets = [0, 8], sizes = [8, 3968], strides = [1, 1]} : vector<8x4096xf32> to vector<8x3968xf32>
    %swap3A_398 = arith.constant 0 : index
    %swap3A_399 = arith.constant 14 : index
    %swap3A_400 = arith.constant 0 : index
    %swap3A_401 = arith.constant 0 : index
    %swap3A_402 = vector.load %arg3[%swap3A_398, %swap3A_399, %swap3A_400, %swap3A_401] : memref<1x16x8x3968xf32, #tpu.memory_space<vmem>>, vector<1x1x8x3968xf32>
    %swap3A_403 = vector.shape_cast %swap3A_402 : vector<1x1x8x3968xf32> to vector<8x3968xf32>
    %swap3A_404 = vector.shape_cast %slice3A_397 : vector<8x3968xf32> to vector<1x1x8x3968xf32>
    tpu.vector_store %arg3[%swap3A_398, %swap3A_399, %swap3A_400, %swap3A_401], %swap3A_404 {strides = array<i32>} : memref<1x16x8x3968xf32, #tpu.memory_space<vmem>>, vector<1x1x8x3968xf32>,
    %slice3A_405 = vector.extract_strided_slice %select_n3A_286 {offsets = [0, 0], sizes = [8, 3968], strides = [1, 1]} : vector<8x4096xf32> to vector<8x3968xf32>
    %swap3A_406 = arith.constant 0 : index
    %swap3A_407 = arith.constant 15 : index
    %swap3A_408 = arith.constant 0 : index
    %swap3A_409 = arith.constant 0 : index
    %swap3A_410 = vector.load %arg3[%swap3A_406, %swap3A_407, %swap3A_408, %swap3A_409] : memref<1x16x8x3968xf32, #tpu.memory_space<vmem>>, vector<1x1x8x3968xf32>
    %swap3A_411 = vector.shape_cast %swap3A_410 : vector<1x1x8x3968xf32> to vector<8x3968xf32>
    %swap3A_412 = vector.shape_cast %slice3A_405 : vector<8x3968xf32> to vector<1x1x8x3968xf32>
    tpu.vector_store %arg3[%swap3A_406, %swap3A_407, %swap3A_408, %swap3A_409], %swap3A_412 {strides = array<i32>} : memref<1x16x8x3968xf32, #tpu.memory_space<vmem>>, vector<1x1x8x3968xf32>,
    return
  }
  func.func @transform_0(%arg0: i32) -> i32 {
    %c0_i32 = arith.constant 0 : i32
    %c0_i32_0 = arith.constant 0 : i32
    return %c0_i32 : i32
  }
  func.func @transform_1(%arg0: i32) -> (i32, i32) {
    %c0_i32 = arith.constant 0 : i32
    %c0_i32_0 = arith.constant 0 : i32
    %c0_i32_1 = arith.constant 0 : i32
    return %c0_i32, %c0_i32_0 : i32, i32
  }
  func.func @transform_2(%arg0: i32) -> (i32, i32, i32, i32) {
    %c0_i32 = arith.constant 0 : i32
    %c0_i32_0 = arith.constant 0 : i32
    %c0_i32_1 = arith.constant 0 : i32
    %c0_i32_2 = arith.constant 0 : i32
    return %arg0, %c0_i32, %c0_i32_0, %c0_i32_1 : i32, i32, i32, i32
  }
}

</mosaic_0001>

<sc_bundles>
// kernel: kernel.4.cloned.1.call-start
scs
__scs_entry_jumppad:
0x0: {  	(pc) =	sbr.rel $0x88, $3  }
0x1: {  	(tag) =	ssettag $0x0;
	lr =	simm.s32 $0x1  }
0x2: {  	[smem:$0x3F9E] =	sst lr;
	_ =	strace $0xD0000000  }
0x3: {  	_ = 	snop  }
0x4: {  	_ = 	snop  }
0x5: {  	_ = 	snop  }
0x6: {  	_ = 	snop  }
0x7: {  	_ = 	snop  }
__scs_overlays_trampoline_lowered:
0x8: {  	[smem:$0x3FAD] =	sst s0  }
0x9: {  	[smem:$0x3FAE] =	sst s1  }
0xa: {  	[smem:$0x3FAF] =	sst s2  }
0xb: {  	[smem:$0x3FB0] =	sst s3  }
0xc: {  	[smem:$0x3FB1] =	sst s4  }
0xd: {  	[smem:$0x3FB2] =	sst s5  }
0xe: {  	[smem:$0x3FB3] =	sst s6  }
0xf: {  	[smem:$0x3FB4] =	sst s7  }
0x10: {  	[smem:$0x3FB5] =	sst s8  }
0x11: {  	[smem:$0x3FB6] =	sst s9;
	s0 =	simm.s32 @!p0 $0x0  }
0x12: {  	s1 =	sld [smem:$0x3F9C];
	s0 =	simm.s32 @p0 $0x1  }
0x13: {  	[smem:$0x3FB7] =	sst s0;
	s0 =	simm.s32 @!p1 $0x0  }
0x14: {  	s2 =	sld [smem:$0x3F9B];
	s0 =	simm.s32 @p1 $0x1  }
0x15: {  	[smem:$0x3FB8] =	sst s0;
	s0 =	simm.s32 @!p2 $0x0  }
0x16: {  	s3 =	sld [smem:$0x3FDB];
	s0 =	simm.s32 @p2 $0x1  }
0x17: {  	s4 =	simm.s32 $0x1BF5;
	[smem:$0x3FBA] =	sst s0  }
0x18: {  	s0 =	sld [smem:$0x3F9D];
	_ =	swait.ge [sflag:s4], $0x0  }
0x19: {  	s7 =	sld [smem:$0x3F9E]  }
0x1a: {  	s8 =	sadd.s32 $0xFFFFE003, lr  }
0x1b: {  	s9 =	sadd.s32 $0xFFFFFEF7, lr;
	s5 =	simm.s32 $0xFFFFFFFF;
	p2 =	slt.u32 s8, $0xFFFFF086  }
0x1c: {  	p1 =	slt.u32 s9, $0xF7A;
	s5 =	simm.s32 @!p2 $0x0  }
0x1d: {  	s5 =	simm.s32 @p1 $0x1;
	p0 =	seq.s32 s7, s2  }
0x1e: {  	s7 =	smul.u32 @!p0 $0xF7A, s2;
	p2 =	seq.s32 @!p0 s5, $0x0  }
0x1f: {  	s9 =	smul.u32 $0xF7A, s1;
	s8 =	simm.s32 @!p0 $0x1BF5;
	p2 =	por !p2, p0  }
0x20: {  	[sflag:s8] =	ssyncset.s32 @!p0 $0xFFFFF086;
	s6 =	sadd.s32 @!p0 s3, s7;
	s7 =	simm.s32 @!p0 $0x108  }
0x21: {  	s3 =	sadd.s32 s3, s9;
	s6 =	sadd.s32 @!p0 $0x88, s6;
	s7 =	simm.s32 @p2 $0x1082  }
0x22: {  	[simem:s7], [sflag:s8] =	dma.local @!p0 [hbm:s6], $0xF7A  }
0x23: {  	s9 =	sor.u32 $0xD0000000, s2;
	s6 =	simm.s32 $0x108;
	_ =	swait.ge @!p0 [sflag:s8], $0x0  }
0x24: {  	s3 =	sadd.s32 $0x88, s3;
	s6 =	simm.s32 @!p1 $0x1082;
	[sflag:s4] =	ssyncset.s32 $0xFFFFF086  }
0x25: {  	[simem:s6], [sflag:s4] =	dma.local [hbm:s3], $0xF7A  }
0x26: {  	[smem:$0x3F9E] =	sst s1;
	(tag) =	ssettag s2;
	_ =	strace s9  }
0x27: {  	s1 =	sld [smem:$0x3FAE]  }
0x28: {  	s2 =	sld [smem:$0x3FAF]  }
0x29: {  	s4 =	sld [smem:$0x3FB1]  }
0x2a: {  	p0 =	seq.s32 s5, $0x0;
	s5 =	sld [smem:$0x3FB2]  }
0x2b: {  	s6 =	sld [smem:$0x3FB3]  }
0x2c: {  	s7 =	sld [smem:$0x3FB4]  }
0x2d: {  	s3 =	simm.s32 $0x108;
	s8 =	sld [smem:$0x3FB5]  }
0x2e: {  	s3 =	simm.s32 @!p0 $0x1082;
	s9 =	sld [smem:$0x3FB6]  }
0x2f: {  	lr =	sadd.s32 s0, s3;
	s0 =	sld [smem:$0x3FAD]  }
0x30: {  	s3 =	sld [smem:$0x3FB0]  }
0x31: {  	[smem:$0x3FB9] =	sst s10  }
0x32: {  	s10 =	sld [smem:$0x3FB7];
	_ =	sdelay $0x3  }
0x33: {  	p0 =	seq.s32 s10, $0x1;
	s10 =	sld [smem:$0x3FB9];
	_ =	sdelay $0x3  }
0x34: {  	[smem:$0x3FB9] =	sst s10  }
0x35: {  	s10 =	sld [smem:$0x3FB8];
	_ =	sdelay $0x3  }
0x36: {  	p1 =	seq.s32 s10, $0x1;
	s10 =	sld [smem:$0x3FB9];
	_ =	sdelay $0x3  }
0x37: {  	[smem:$0x3FB9] =	sst s10  }
0x38: {  	s10 =	sld [smem:$0x3FBA]  }
0x39: {  	_ = 	snop;
	(pc) =	sbr.ind lr, $3  }
0x3a: {  	_ = 	snop  }
0x3b: {  	_ = 	snop  }
0x3c: {  	p2 =	seq.s32 s10, $0x1;
	s10 =	sld [smem:$0x3FB9]  }
0x3d: {  	_ =	shalt  }
0x3e: {  	_ =	shalt  }
0x3f: {  	_ =	shalt  }
0x40: {  	_ =	shalt  }
0x41: {  	_ =	shalt  }
0x42: {  	_ =	shalt  }
0x43: {  	_ =	shalt  }
0x44: {  	_ =	shalt  }
0x45: {  	_ =	shalt  }
0x46: {  	_ =	shalt  }
0x47: {  	_ =	shalt  }
0x48: {  	_ =	shalt  }
0x49: {  	_ =	shalt  }
0x4a: {  	_ =	shalt  }
0x4b: {  	_ =	shalt  }
0x4c: {  	_ =	shalt  }
0x4d: {  	_ =	shalt  }
0x4e: {  	_ =	shalt  }
0x4f: {  	_ =	shalt  }
0x50: {  	_ =	shalt  }
0x51: {  	_ =	shalt  }
0x52: {  	_ =	shalt  }
0x53: {  	_ =	shalt  }
0x54: {  	_ =	shalt  }
0x55: {  	_ =	shalt  }
0x56: {  	_ =	shalt  }
0x57: {  	_ =	shalt  }
0x58: {  	_ =	shalt  }
0x59: {  	_ =	shalt  }
0x5a: {  	_ =	shalt  }
0x5b: {  	_ =	shalt  }
0x5c: {  	_ =	shalt  }
0x5d: {  	_ =	shalt  }
0x5e: {  	_ =	shalt  }
0x5f: {  	_ =	shalt  }
0x60: {  	_ =	shalt  }
0x61: {  	_ =	shalt  }
0x62: {  	_ =	shalt  }
0x63: {  	_ =	shalt  }
0x64: {  	_ =	shalt  }
0x65: {  	_ =	shalt  }
0x66: {  	_ =	shalt  }
0x67: {  	_ =	shalt  }
0x68: {  	_ =	shalt  }
0x69: {  	_ =	shalt  }
0x6a: {  	_ =	shalt  }
0x6b: {  	_ =	shalt  }
0x6c: {  	_ =	shalt  }
0x6d: {  	_ =	shalt  }
0x6e: {  	_ =	shalt  }
0x6f: {  	_ =	shalt  }
0x70: {  	_ =	shalt  }
0x71: {  	_ =	shalt  }
0x72: {  	_ =	shalt  }
0x73: {  	_ =	shalt  }
0x74: {  	_ =	shalt  }
0x75: {  	_ =	shalt  }
0x76: {  	_ =	shalt  }
0x77: {  	_ =	shalt  }
0x78: {  	_ =	shalt  }
0x79: {  	_ =	shalt  }
0x7a: {  	_ =	shalt  }
0x7b: {  	_ =	shalt  }
0x7c: {  	_ =	shalt  }
0x7d: {  	_ =	shalt  }
0x7e: {  	_ =	shalt  }
0x7f: {  	_ =	shalt  }
0x80: {  	_ =	shalt  }
0x81: {  	_ =	shalt  }
0x82: {  	_ =	shalt  }
0x83: {  	_ =	shalt  }
0x84: {  	_ =	shalt  }
0x85: {  	_ =	shalt  }
0x86: {  	_ =	shalt  }
0x87: {  	_ =	shalt  }
.Lfunc_end0:
.L_simem_size_0:
called_computation_lowered:
.L_overlay_start_0:
0x88: {  	s2 =	sld [smem:$0x3FD9]  }
0x89: {  	s3 =	sld [smem:$0x3FFE];
	_ =	sdelay $0x1  }
0x8a: {  	s1 =	srdreg.scid  }
0x8b: {  	s0 =	sand.u32 $0x1, s1  }
0x8c: {  	s17 =	sshll.u32 s0, $0xA;
	s2 =	sadd.s32 s3, s2  }
0x8d: {  	s2 =	sadd.s32 s2, s17  }
0x8e: {  	[smem:$0x3FC5] =	sst s2  }
0x8f: {  	_ = 	snop  }
0x90: {  	s2 =	sld [smem:$0x3FD0];
	(tm) =	ssettm $0x1  }
0x91: {  	s18 =	sld [smem:$0x3FFB];
	_ =	sdelay $0x3  }
0x92: {  	_ =	strace s18  }
0x93: {  	s3 =	sld [smem:$0x3FFC];
	_ =	sdelay $0x3  }
0x94: {  	_ =	strace s3  }
0x95: {  	s3 =	sld [smem:$0x3FFD];
	_ =	sdelay $0x3  }
0x96: {  	_ =	strace s3  }
0x97: {  	_ =	strace $0x8FFFFFFF  }
0x98: {  	s19 =	sld [smem:$0x3FDB];
	_ =	sdelay $0x1  }
0x99: {  	s4 =	simm.s32 $_scs_section_size  }
0x9a: {  	s5 =	simm.s32 $_size__tile_overlayer_lowered;
	s6 =	simm.s32 $_tile_overlayer_lowered  }
0x9b: {  	s22 =	simm.s32 $0x1BFF;
	s21 =	sshll.u32 s6, $0x1;
	s3 =	sadd.s32 s4, s19  }
0x9c: {  	s7 =	simm.s32 $0x0;
	s20 =	sshll.u32 s5, $0x1;
	s5 =	sadd.s32 s21, s3  }
0x9d: {  	[timem:s7], [sflag:s22] =	dma.local [hbm:s5], s20  }
0x9e: {  	_ =	swait.ge [sflag:s22], s20  }
0x9f: {  	s4 =	ssub.s32 $0x0, s20;
	[sflag:s22] =	ssyncset.done $0x0  }
0xa0: {  	[sflag:s22] =	ssyncadd.s32 s4;
	_ =	sdelay $0x1  }
0xa1: {  	s23 =	simm.s32 $0x1B8B  }
0xa2: {  	_ =	swait.ge [sflag:s23], $0x1  }
0xa3: {  	[sflag:s23] =	ssyncset.done $0x0  }
0xa4: {  	s25 =	simm.s32 $0x1B8E;
	s24 =	sld [smem:$0x3FFE];
	[sflag:s23] =	ssyncadd.s32 $0xFFFFFFFF  }
0xa5: {  	s26 =	simm.s32 $execute0_lowered;
	[smem:$0x3FD2] =	sst s25  }
0xa6: {  	s5 =	sshll.u32 s26, $0x1;
	_ =	strace $0x80000046;
	[dreg:$0x1] =	wrdreg $0xFFFFFFFF  }
0xa7: {  	s28 =	simm.s32 $_size_execute0_lowered;
	s3 =	sadd.s32 s3, s5;
	[dreg:$0x0] =	wrdreg $0x0  }
0xa8: {  	s5 =	sshll.u32 s28, $0x1;
	[dreg:$0x2] =	wrdreg s3  }
0xa9: {  	[dreg:$0x3] =	wrdreg s5  }
0xaa: {  	[dreg:$0x4] =	wrdreg $0xC0  }
0xab: {  	_ =	task [dreg:s7], $0x5FFFF  }
0xac: {  	[dreg:$0x1] =	wrdreg $0xFFFFFFFF  }
0xad: {  	[dreg:$0x0] =	wrdreg $0x60  }
0xae: {  	[dreg:$0x2] =	wrdreg s24  }
0xaf: {  	[dreg:$0x3] =	wrdreg s2  }
0xb0: {  	[dreg:$0x4] =	wrdreg $0x0  }
0xb1: {  	[dreg:$0x5] =	wrdreg $0x7C000  }
0xb2: {  	[dreg:$0x6] =	wrdreg $0x9  }
0xb3: {  	_ =	task.clear_ibuf [dreg:s7], $0x7FFFF;
	_ =	strace $0x90000046  }
0xb4: {  	s29 =	simm.s32 $0x9;
	_ =	strace $0x80000048  }
0xb5: {  	_ =	swait.ge [sflag:s29], $0x1  }
0xb6: {  	[sflag:s29] =	ssyncadd.s32 $0xFFFFFFFF  }
0xb7: {  	_ =	strace $0x90000048  }
0xb8: {  	_ =	sfence  }
0xb9: {  	s30 =	sld [smem:$0x0];
	_ =	sdelay $0x2  }
0xba: {  	s31 =	sshll.u32 s1, $0xD;
	s1 =	sshrl.u32 s1, $0x2  }
0xbb: {  	s3 =	sand.u32 $0x4000, s31;
	s1 =	sadd.s32 s1, s30  }
0xbc: {  	s0 =	sor.u32 s3, s0;
	s1 =	sshll.u32 s1, $0x11  }
0xbd: {  	s0 =	sor.u32 s1, s0  }
0xbe: {  	s0 =	sadd.s32 $0x8F2B, s0  }
0xbf: {  	[sflag:s0] =	ssyncadd.remote.s32 $0x1  }
0xc0: {  	_ =	sfence.sel $0xFFFF  }
0xc1: {  	[dreg:$0x0] =	wrdreg $0xFFFFFFFF;
	(pc) =	sbr.abs _section_cstart, $3  }
0xc2: {  	[dreg:$0x1] =	wrdreg $0xFFFFFFFF  }
0xc3: {  	_ =	task.clear_ibuf [dreg:s7], $0x2FFFF;
	_ =	strace $0x9FFFFFFF  }
0xc4: {  	(tm) =	ssettm $0x7FFFFFFF  }
0xc5: {  	_ =	shalt  }
tec
execute0_lowered:
.L_overlay_start_1:
0x0: {  	(tag) =	ssettag $0x1  }
0x1: {  	s0 =	rddreg [dreg:$0x0]  }
0x2: {  	s7 =	rddreg [dreg:$0x1]  }
0x3: {  	s1 =	srdreg.scid;
	s5 =	rddreg [dreg:$0x2]  }
0x4: {  	s8 =	stileid.u32;
	s14 =	rddreg [dreg:$0x3];
	s2 =	simm.s32 $0x0  }
0x5: {  	s4 =	sand.u32 $0x1, s1;
	s29 =	smul.u32 $0x7C00, s8;
	[smem:$0x7FF] =	sst s2  }
0x6: {  	s31 =	sadd.s32 $0x400, s0;
	s30 =	sshll.u32 s8, $0x12;
	s23 =	sshll.u32 s8, $0xA  }
0x7: {  	s1 =	smul.u32 $0x3E0000, s4;
	s26 =	sshll.u32 s4, $0x3;
	_ =	strace $0x80000047  }
0x8: {  	s3 =	sshll.u32 s4, $0x19;
	[dreg:$0x8] =	wrdreg s31;
	s15 =	sxor.u32 $0x3C00, s23  }
0x9: {  	s10 =	sor.u32 $0x1, s26;
	s6 =	sadd.s32 s29, s5;
	s16 =	sadd.s32 s29, s1  }
0xa: {  	s19 =	sor.u32 s30, s3;
	s18 =	smul.u32 $0x7C000, s10;
	s17 =	sshrl.u32 s16, $0x3  }
0xb: {  	s1 =	smov.u32 s4;
	s4 =	simm.s32 $0x1;
	s2 =	sadd.s32 s31, s17  }
0xc: {  	s20 =	sadd.s32 s29, s18;
	[dreg:$0x5] =	wrdreg s2;
	s2 =	sshrl.u32 s19, $0x3  }
0xd: {  	s3 =	sshrl.u32 s20, $0x3;
	s21 =	sadd.s32 s7, s2;
	s22 =	rddreg [dreg:$0x5]  }
0xe: {  	s16 =	sshll.u32 s8, $0x6;
	s3 =	sadd.s32 s31, s3;
	[dreg:$0x6] =	wrdreg s21  }
0xf: {  	s2 =	sor.u32 $0x1C01, s16;
	[dreg:$0x7] =	wrdreg s3;
	s3 =	sshrl.u32 s6, $0x3  }
0x10: {  	[spmem:s3], [sflag:s2] =	dma.local [hbm:s22], $0xF80  }
0x11: {  	s0 =	smov.u32 s7;
	s5 =	sadd.s32 s15, s5;
	_ =	swait.ge [sflag:s4], $0xF80  }
0x12: {  	s24 =	sadd.s32 s29, s14;
	s5 =	sshrl.u32 s5, $0x3;
	[sflag:s4] =	ssyncset.done $0x0  }
0x13: {  	s10 =	sshll.u32 s10, $0x16;
	s8 =	simm.s32 $0xF80;
	[sflag:s4] =	ssyncadd.s32 $0xFFFFF080  }
0x14: {  	s10 =	sor.u32 s30, s10;
	s9 =	sor.u32 $0x1C03, s16;
	[bflag:$0x0] =	sbarrier.arrive $0xFFFF  }
0x15: {  	s7 =	simm.s32 $0x800;
	s6 =	simm.s32 $0x80;
	s11 =	rddreg [dreg:$0x6]  }
0x16: {  	[hbm:s11@s7], [sflag:s9] =	dma.strided [spmem:s5@s8], $0x8000, s6, $0x10   }
0x17: {  	s17 =	sshrl.u32 s10, $0x3;
	s10 =	sshrl.u32 s24, $0x3;
	[bflag:$0x0] =	sbarrier.arrive $0xFFFF  }
0x18: {  	s12 =	sor.u32 $0x1C02, s16;
	s11 =	simm.s32 $0x2;
	s13 =	rddreg [dreg:$0x7]  }
0x19: {  	[spmem:s10], [sflag:s12] =	dma.local [hbm:s13], $0xF80  }
0x1a: {  	s14 =	sadd.s32 s15, s14;
	_ =	swait.ge [sflag:s11], $0xF80  }
0x1b: {  	s15 =	simm.s32 $0x3;
	s18 =	sor.u32 $0x2, s26;
	[sflag:s11] =	ssyncset.done $0x0  }
0x1c: {  	s14 =	sshrl.u32 s14, $0x3;
	s25 =	smul.u32 $0x7C000, s18;
	[sflag:s11] =	ssyncadd.s32 $0xFFFFF080  }
0x1d: {  	s16 =	sor.u32 $0x1C04, s16;
	s13 =	sadd.s32 s0, s17;
	[bflag:$0x0] =	sbarrier.arrive $0xFFFF  }
0x1e: {  	[hbm:s13@s7], [sflag:s16] =	dma.strided [spmem:s14@s8], $0x8000, s6, $0x10   }
0x1f: {  	_ =	swait.ge [sflag:s15], $0x8000  }
0x20: {  	s17 =	sadd.s32 s29, s25;
	[sflag:s15] =	ssyncset.done $0x0  }
0x21: {  	s17 =	sshrl.u32 s17, $0x3;
	[sflag:s15] =	ssyncadd.s32 $0xFFFF8000  }
0x22: {  	s17 =	sadd.s32 s31, s17;
	[bflag:$0x0] =	sbarrier.arrive $0xFFFF  }
0x23: {  	[spmem:s3], [sflag:s2] =	dma.local [hbm:s17], $0xF80  }
0x24: {  	s18 =	sshll.u32 s18, $0x16;
	_ =	swait.ge [sflag:s4], $0xF80  }
0x25: {  	s19 =	simm.s32 $0x4;
	s18 =	sor.u32 s30, s18;
	[sflag:s4] =	ssyncset.done $0x0  }
0x26: {  	s18 =	sshrl.u32 s18, $0x3;
	s21 =	sor.u32 $0x3, s26;
	[sflag:s4] =	ssyncadd.s32 $0xFFFFF080  }
0x27: {  	s18 =	sadd.s32 s0, s18;
	s20 =	smul.u32 $0x7C000, s21;
	[bflag:$0x0] =	sbarrier.arrive $0xFFFF  }
0x28: {  	[hbm:s18@s7], [sflag:s9] =	dma.strided [spmem:s5@s8], $0x8000, s6, $0x10   }
0x29: {  	_ =	swait.ge [sflag:s19], $0x8000  }
0x2a: {  	s20 =	sadd.s32 s29, s20;
	[sflag:s19] =	ssyncset.done $0x0  }
0x2b: {  	s20 =	sshrl.u32 s20, $0x3;
	[sflag:s19] =	ssyncadd.s32 $0xFFFF8000  }
0x2c: {  	s20 =	sadd.s32 s31, s20;
	[bflag:$0x0] =	sbarrier.arrive $0xFFFF  }
0x2d: {  	[spmem:s10], [sflag:s12] =	dma.local [hbm:s20], $0xF80  }
0x2e: {  	s21 =	sshll.u32 s21, $0x16;
	_ =	swait.ge [sflag:s11], $0xF80  }
0x2f: {  	s21 =	sor.u32 s30, s21;
	[sflag:s11] =	ssyncset.done $0x0  }
0x30: {  	s23 =	sor.u32 $0x4, s26;
	s21 =	sshrl.u32 s21, $0x3;
	[sflag:s11] =	ssyncadd.s32 $0xFFFFF080  }
0x31: {  	s22 =	smul.u32 $0x7C000, s23;
	s21 =	sadd.s32 s0, s21;
	[bflag:$0x0] =	sbarrier.arrive $0xFFFF  }
0x32: {  	[hbm:s21@s7], [sflag:s16] =	dma.strided [spmem:s14@s8], $0x8000, s6, $0x10   }
0x33: {  	_ =	swait.ge [sflag:s15], $0x8000  }
0x34: {  	s22 =	sadd.s32 s29, s22;
	[sflag:s15] =	ssyncset.done $0x0  }
0x35: {  	s22 =	sshrl.u32 s22, $0x3;
	[sflag:s15] =	ssyncadd.s32 $0xFFFF8000  }
0x36: {  	s22 =	sadd.s32 s31, s22;
	[bflag:$0x0] =	sbarrier.arrive $0xFFFF  }
0x37: {  	[spmem:s3], [sflag:s2] =	dma.local [hbm:s22], $0xF80  }
0x38: {  	s23 =	sshll.u32 s23, $0x16;
	_ =	swait.ge [sflag:s4], $0xF80  }
0x39: {  	s23 =	sor.u32 s30, s23;
	[sflag:s4] =	ssyncset.done $0x0  }
0x3a: {  	s23 =	sshrl.u32 s23, $0x3;
	s25 =	sor.u32 $0x5, s26;
	[sflag:s4] =	ssyncadd.s32 $0xFFFFF080  }
0x3b: {  	s23 =	sadd.s32 s0, s23;
	s24 =	smul.u32 $0x7C000, s25;
	[bflag:$0x0] =	sbarrier.arrive $0xFFFF  }
0x3c: {  	[hbm:s23@s7], [sflag:s9] =	dma.strided [spmem:s5@s8], $0x8000, s6, $0x10   }
0x3d: {  	_ =	swait.ge [sflag:s19], $0x8000  }
0x3e: {  	s24 =	sadd.s32 s29, s24;
	[sflag:s19] =	ssyncset.done $0x0  }
0x3f: {  	s24 =	sshrl.u32 s24, $0x3;
	[sflag:s19] =	ssyncadd.s32 $0xFFFF8000  }
0x40: {  	s24 =	sadd.s32 s31, s24;
	[bflag:$0x0] =	sbarrier.arrive $0xFFFF  }
0x41: {  	[spmem:s10], [sflag:s12] =	dma.local [hbm:s24], $0xF80  }
0x42: {  	s25 =	sshll.u32 s25, $0x16;
	_ =	swait.ge [sflag:s11], $0xF80  }
0x43: {  	s25 =	sor.u32 s30, s25;
	[sflag:s11] =	ssyncset.done $0x0  }
0x44: {  	s28 =	sor.u32 $0x6, s26;
	s25 =	sshrl.u32 s25, $0x3;
	[sflag:s11] =	ssyncadd.s32 $0xFFFFF080  }
0x45: {  	s26 =	smul.u32 $0x7C000, s28;
	s25 =	sadd.s32 s0, s25;
	[bflag:$0x0] =	sbarrier.arrive $0xFFFF  }
0x46: {  	[hbm:s25@s7], [sflag:s16] =	dma.strided [spmem:s14@s8], $0x8000, s6, $0x10   }
0x47: {  	_ =	swait.ge [sflag:s15], $0x8000  }
0x48: {  	s26 =	sadd.s32 s29, s26;
	[sflag:s15] =	ssyncset.done $0x0  }
0x49: {  	s26 =	sshrl.u32 s26, $0x3;
	[sflag:s15] =	ssyncadd.s32 $0xFFFF8000  }
0x4a: {  	s28 =	sshll.u32 s28, $0x16;
	s26 =	sadd.s32 s31, s26;
	[bflag:$0x0] =	sbarrier.arrive $0xFFFF  }
0x4b: {  	[spmem:s3], [sflag:s2] =	dma.local [hbm:s26], $0xF80  }
0x4c: {  	s28 =	sor.u32 s30, s28;
	_ =	swait.ge [sflag:s4], $0xF80  }
0x4d: {  	s28 =	sshrl.u32 s28, $0x3;
	[sflag:s4] =	ssyncset.done $0x0  }
0x4e: {  	s28 =	sadd.s32 s0, s28;
	s0 =	sshllo.u32 s1, $0x3;
	[sflag:s4] =	ssyncadd.s32 $0xFFFFF080  }
0x4f: {  	s31 =	smov.u32 s1;
	s1 =	smul.u32 $0x7C000, s0;
	[bflag:$0x0] =	sbarrier.arrive $0xFFFF  }
0x50: {  	[hbm:s28@s7], [sflag:s9] =	dma.strided [spmem:s5@s8], $0x8000, s6, $0x10   }
0x51: {  	_ =	swait.ge [sflag:s19], $0x8000  }
0x52: {  	s1 =	sadd.s32 s29, s1;
	[sflag:s19] =	ssyncset.done $0x0  }
0x53: {  	s1 =	sshrl.u32 s1, $0x3;
	s29 =	rddreg [dreg:$0x8];
	[sflag:s19] =	ssyncadd.s32 $0xFFFF8000  }
0x54: {  	s29 =	sadd.s32 s29, s1;
	[bflag:$0x0] =	sbarrier.arrive $0xFFFF  }
0x55: {  	[spmem:s10], [sflag:s12] =	dma.local [hbm:s29], $0xF80  }
0x56: {  	_ =	swait.ge [sflag:s11], $0xF80  }
0x57: {  	s0 =	sshll.u32 s0, $0x16;
	[sflag:s11] =	ssyncset.done $0x0  }
0x58: {  	s0 =	sor.u32 s30, s0;
	[sflag:s11] =	ssyncadd.s32 $0xFFFFF080  }
0x59: {  	s0 =	sshrl.u32 s0, $0x3;
	s1 =	rddreg [dreg:$0x1]  }
0x5a: {  	[bflag:$0x0] =	sbarrier.arrive $0xFFFF;
	s30 =	sadd.s32 s1, s0;
	s0 =	ssub.s32 $0x2, s31  }
0x5b: {  	[hbm:s30@s7], [sflag:s16] =	dma.strided [spmem:s14@s8], $0x8000, s6, $0x10   }
0x5c: {  	s1 =	sshrl.u32 s0, $0x1  }
0x5d: {  	s0 =	ssub.s32 s0, s1  }
0x5e: {  	s0 =	smax.u32 s0, $0x1  }
0x5f: {  	p0 =	sne.s32 s0, $0x1  }
.Ltmp0:
0x60: {  	_ =	swait.ge [sflag:s15], $0x8000;
	(pc) =	sbr.rel @!p0 .LBB2_2-.Ltmp0, $4  }
0x61: {  	[sflag:s15] =	ssyncset.done $0x0  }
0x62: {  	[sflag:s15] =	ssyncadd.s32 $0xFFFF8000  }
0x63: {  	_ =	swait.ge [sflag:s19], $0x8000  }
0x64: {  	s31 =	sadd.s32 $0xFFFFFFFF, s0;
	[sflag:s19] =	ssyncset.done $0x0  }
.LBB2_1:
0x65: {  	s0 =	rddreg [dreg:$0x5];
	[sflag:s19] =	ssyncadd.s32 $0xFFFF8000  }
0x66: {  	[spmem:s3], [sflag:s2] =	dma.local [hbm:s0], $0xF80  }
0x67: {  	_ =	swait.ge [sflag:s4], $0xF80  }
0x68: {  	[sflag:s4] =	ssyncset.done $0x0  }
0x69: {  	[sflag:s4] =	ssyncadd.s32 $0xFFFFF080  }
0x6a: {  	[bflag:$0x0] =	sbarrier.arrive $0xFFFF  }
0x6b: {  	s1 =	rddreg [dreg:$0x6]  }
0x6c: {  	[hbm:s1@s7], [sflag:s9] =	dma.strided [spmem:s5@s8], $0x8000, s6, $0x10   }
0x6d: {  	[bflag:$0x0] =	sbarrier.arrive $0xFFFF  }
0x6e: {  	s1 =	rddreg [dreg:$0x7]  }
0x6f: {  	[spmem:s10], [sflag:s12] =	dma.local [hbm:s1], $0xF80  }
0x70: {  	_ =	swait.ge [sflag:s11], $0xF80  }
0x71: {  	[sflag:s11] =	ssyncset.done $0x0  }
0x72: {  	[sflag:s11] =	ssyncadd.s32 $0xFFFFF080  }
0x73: {  	[bflag:$0x0] =	sbarrier.arrive $0xFFFF  }
0x74: {  	[hbm:s13@s7], [sflag:s16] =	dma.strided [spmem:s14@s8], $0x8000, s6, $0x10   }
0x75: {  	_ =	swait.ge [sflag:s15], $0x8000  }
0x76: {  	[sflag:s15] =	ssyncset.done $0x0  }
0x77: {  	[sflag:s15] =	ssyncadd.s32 $0xFFFF8000  }
0x78: {  	[bflag:$0x0] =	sbarrier.arrive $0xFFFF  }
0x79: {  	[spmem:s3], [sflag:s2] =	dma.local [hbm:s17], $0xF80  }
0x7a: {  	_ =	swait.ge [sflag:s4], $0xF80  }
0x7b: {  	[sflag:s4] =	ssyncset.done $0x0  }
0x7c: {  	[sflag:s4] =	ssyncadd.s32 $0xFFFFF080  }
0x7d: {  	[bflag:$0x0] =	sbarrier.arrive $0xFFFF  }
0x7e: {  	[hbm:s18@s7], [sflag:s9] =	dma.strided [spmem:s5@s8], $0x8000, s6, $0x10   }
0x7f: {  	_ =	swait.ge [sflag:s19], $0x8000  }
0x80: {  	[sflag:s19] =	ssyncset.done $0x0  }
0x81: {  	[sflag:s19] =	ssyncadd.s32 $0xFFFF8000  }
0x82: {  	[bflag:$0x0] =	sbarrier.arrive $0xFFFF  }
0x83: {  	[spmem:s10], [sflag:s12] =	dma.local [hbm:s20], $0xF80  }
0x84: {  	_ =	swait.ge [sflag:s11], $0xF80  }
0x85: {  	[sflag:s11] =	ssyncset.done $0x0  }
0x86: {  	[sflag:s11] =	ssyncadd.s32 $0xFFFFF080  }
0x87: {  	[bflag:$0x0] =	sbarrier.arrive $0xFFFF  }
0x88: {  	[hbm:s21@s7], [sflag:s16] =	dma.strided [spmem:s14@s8], $0x8000, s6, $0x10   }
0x89: {  	_ =	swait.ge [sflag:s15], $0x8000  }
0x8a: {  	[sflag:s15] =	ssyncset.done $0x0  }
0x8b: {  	[sflag:s15] =	ssyncadd.s32 $0xFFFF8000  }
0x8c: {  	[bflag:$0x0] =	sbarrier.arrive $0xFFFF  }
0x8d: {  	[spmem:s3], [sflag:s2] =	dma.local [hbm:s22], $0xF80  }
0x8e: {  	_ =	swait.ge [sflag:s4], $0xF80  }
0x8f: {  	[sflag:s4] =	ssyncset.done $0x0  }
0x90: {  	[sflag:s4] =	ssyncadd.s32 $0xFFFFF080  }
0x91: {  	[bflag:$0x0] =	sbarrier.arrive $0xFFFF  }
0x92: {  	[hbm:s23@s7], [sflag:s9] =	dma.strided [spmem:s5@s8], $0x8000, s6, $0x10   }
0x93: {  	_ =	swait.ge [sflag:s19], $0x8000  }
0x94: {  	[sflag:s19] =	ssyncset.done $0x0  }
0x95: {  	[sflag:s19] =	ssyncadd.s32 $0xFFFF8000  }
0x96: {  	[bflag:$0x0] =	sbarrier.arrive $0xFFFF  }
0x97: {  	[spmem:s10], [sflag:s12] =	dma.local [hbm:s24], $0xF80  }
0x98: {  	_ =	swait.ge [sflag:s11], $0xF80  }
0x99: {  	[sflag:s11] =	ssyncset.done $0x0  }
0x9a: {  	[sflag:s11] =	ssyncadd.s32 $0xFFFFF080  }
0x9b: {  	[bflag:$0x0] =	sbarrier.arrive $0xFFFF  }
0x9c: {  	[hbm:s25@s7], [sflag:s16] =	dma.strided [spmem:s14@s8], $0x8000, s6, $0x10   }
0x9d: {  	_ =	swait.ge [sflag:s15], $0x8000  }
0x9e: {  	[sflag:s15] =	ssyncset.done $0x0  }
0x9f: {  	[sflag:s15] =	ssyncadd.s32 $0xFFFF8000  }
0xa0: {  	[bflag:$0x0] =	sbarrier.arrive $0xFFFF  }
0xa1: {  	[spmem:s3], [sflag:s2] =	dma.local [hbm:s26], $0xF80  }
0xa2: {  	_ =	swait.ge [sflag:s4], $0xF80  }
0xa3: {  	[sflag:s4] =	ssyncset.done $0x0  }
0xa4: {  	[sflag:s4] =	ssyncadd.s32 $0xFFFFF080  }
0xa5: {  	[bflag:$0x0] =	sbarrier.arrive $0xFFFF  }
0xa6: {  	[hbm:s28@s7], [sflag:s9] =	dma.strided [spmem:s5@s8], $0x8000, s6, $0x10   }
0xa7: {  	_ =	swait.ge [sflag:s19], $0x8000  }
0xa8: {  	[sflag:s19] =	ssyncset.done $0x0  }
0xa9: {  	[sflag:s19] =	ssyncadd.s32 $0xFFFF8000  }
0xaa: {  	[bflag:$0x0] =	sbarrier.arrive $0xFFFF  }
0xab: {  	[spmem:s10], [sflag:s12] =	dma.local [hbm:s29], $0xF80  }
0xac: {  	_ =	swait.ge [sflag:s11], $0xF80  }
0xad: {  	[sflag:s11] =	ssyncset.done $0x0  }
0xae: {  	[sflag:s11] =	ssyncadd.s32 $0xFFFFF080  }
0xaf: {  	p0 =	sne.s32 s31, $0x1;
	[bflag:$0x0] =	sbarrier.arrive $0xFFFF  }
0xb0: {  	[hbm:s30@s7], [sflag:s16] =	dma.strided [spmem:s14@s8], $0x8000, s6, $0x10   }
.Ltmp1:
0xb1: {  	_ =	swait.ge [sflag:s15], $0x8000;
	(pc) =	sbr.rel @p0 .LBB2_1-.Ltmp1, $4  }
0xb2: {  	[sflag:s15] =	ssyncset.done $0x0  }
0xb3: {  	[sflag:s15] =	ssyncadd.s32 $0xFFFF8000  }
0xb4: {  	_ =	swait.ge [sflag:s19], $0x8000  }
0xb5: {  	s31 =	sadd.s32 $0xFFFFFFFF, s31;
	[sflag:s19] =	ssyncset.done $0x0  }
.LBB2_2:
0xb6: {  	[sflag:s19] =	ssyncadd.s32 $0xFFFF8000  }
0xb7: {  	_ =	sfence.sel $0x180000  }
0xb8: {  	[bflag:$0x0] =	sbarrier.arrive $0xFFFF  }
0xb9: {  	_ =	strace $0x90000047  }
0xba: {  	s0 =	stileid.u32;
	[bflag:$0x2] =	sbarrier.arrive $0xFFFF  }
0xbb: {  	p0 =	sne.s32 s0, $0x0;
	s0 =	rddreg [dreg:$0x4]  }
0xbc: {  	s0 =	sadd.s32 @!p0 $0x100000, s0  }
0xbd: {  	[sflag:s0] =	ssyncadd.tile.s32 @!p0 $0x1;
	_ =	shalt  }
.Lfunc_end2:
_tile_overlayer_lowered:
.L_overlay_start_2:
0xbe: {  	(tag) =	ssettag $0x2  }
0xbf: {  	s0 =	rddreg [dreg:$0x0];
	s2 =	stileid.u32  }
0xc0: {  	s1 =	rddreg [dreg:$0x1];
	p0 =	sne.s32 s2, $0x0  }
0xc1: {  	s3 =	rddreg [dreg:$0x2];
	[bflag:$0x3] =	sbarrier.arrive $0xFFFF;
	s2 =	simm.s32 @!p0 $0x1C05  }
0xc2: {  	[timem:s3], [sflag:s2] =	dma.local @!p0 [hbm:s0], s1  }
0xc3: {  	s0 =	simm.s32 @!p0 $0x5  }
0xc4: {  	_ =	swait.ge @!p0 [sflag:s0], s1  }
0xc5: {  	s1 =	ssub.s32 @!p0 $0x0, s1;
	[sflag:s0] =	ssyncset.done @!p0 $0x0  }
0xc6: {  	[sflag:s0] =	ssyncadd.s32 @!p0 s1  }
0xc7: {  	[bflag:$0x3] =	sbarrier.arrive $0xFFFF  }
0xc8: {  	_ =	shalt  }

</sc_bundles>
